<compile_context>
chip_gen: v7x
topology: tpu7x:2x2x1
jax: 0.10.2.dev20260603
libtpu: 0.0.44.dev20260713+nightly
codegen_flags: <defaults>
</compile_context>

<pallas_src>
import functools

import jax
import jax.numpy as jnp
from jax.experimental import pallas as pl
from jax.experimental.pallas import tpu as pltpu
from jax.experimental.pallas import tpu_sc as plsc

N_HEAD = 16
CHUNK = 64
TOPK = 8
C = 1024
KV = 8192
NUM_CHUNKS = KV // CHUNK
BLK = 1024
NBLK = KV // BLK
HS = C // N_HEAD
SCALE = 1.0 / (HS ** 0.5)


def _dotT(a, b):
    return jax.lax.dot_general(a, b, (((1,), (1,)), ((), ())),
                               preferred_element_type=jnp.float32)


def _dot(a, b):
    return jax.lax.dot_general(a, b, (((1,), (0,)), ((), ())),
                               preferred_element_type=jnp.float32)


def _v_side_body(x_ref, wv_ref, vc_ref, vnew_ref):
    i = pl.program_id(0)

    @pl.when(i < NBLK)
    def _():
        vnew_ref[...] = vc_ref[...]

    @pl.when(i == NBLK)
    def _():
        vnew_ref[0:1, :] = _dotT(x_ref[...], wv_ref[...])


def _v_side(x_row, W_v, vc2d):
    return pl.pallas_call(
        _v_side_body,
        grid=(NBLK + 1,),
        in_specs=[
            pl.BlockSpec((1, C), lambda i: (0, 0)),
            pl.BlockSpec((C, C), lambda i: (0, 0)),
            pl.BlockSpec((BLK, C), lambda i: (jnp.minimum(i, NBLK - 1), 0)),
        ],
        out_specs=pl.BlockSpec((BLK, C), lambda i: (i, 0)),
        out_shape=jax.ShapeDtypeStruct((KV + 1, C), jnp.float32),
    )(x_row, W_v, vc2d)


def _k_side_body(x_ref, wr_ref, wk_ref, kc_ref,
                 knew_ref, q_ref, topk_ref, csums):
    i = pl.program_id(0)

    @pl.when(i < NBLK)
    def _():
        blk = kc_ref[...]
        knew_ref[...] = blk
        ck = jnp.sum(blk.reshape(BLK // CHUNK, CHUNK, C), axis=1)
        csums[pl.ds(i * (BLK // CHUNK), BLK // CHUNK), :] = ck

    @pl.when(i == NBLK)
    def _():
        knew_ref[0:1, :] = _dotT(x_ref[...], wk_ref[...])
        q = _dotT(x_ref[...], wr_ref[...])
        q_ref[...] = q
        s = _dotT(q, csums[...])
        lane = jax.lax.broadcasted_iota(jnp.int32, (1, NUM_CHUNKS), 1)
        lane512 = jax.lax.broadcasted_iota(jnp.int32, (1, TOPK * CHUNK), 1)
        rows = lane512 % CHUNK
        for j in range(TOPK):
            m = jnp.max(s)
            idx = jnp.min(jnp.where(s == m, lane, NUM_CHUNKS))
            rows = rows + jnp.where(lane512 // CHUNK == j, idx * CHUNK, 0)
            s = jnp.where(lane == idx, -jnp.inf, s)
        topk_ref[...] = rows


def _k_side(x_row, W_r, W_k, kc2d):
    return pl.pallas_call(
        _k_side_body,
        grid=(NBLK + 1,),
        in_specs=[
            pl.BlockSpec((1, C), lambda i: (0, 0)),
            pl.BlockSpec((C, C), lambda i: (0, 0)),
            pl.BlockSpec((C, C), lambda i: (0, 0)),
            pl.BlockSpec((BLK, C), lambda i: (jnp.minimum(i, NBLK - 1), 0)),
        ],
        out_specs=[
            pl.BlockSpec((BLK, C), lambda i: (i, 0)),
            pl.BlockSpec((1, C), lambda i: (0, 0)),
            pl.BlockSpec((1, TOPK * CHUNK), lambda i: (0, 0)),
        ],
        out_shape=[
            jax.ShapeDtypeStruct((KV + 1, C), jnp.float32),
            jax.ShapeDtypeStruct((1, C), jnp.float32),
            jax.ShapeDtypeStruct((1, TOPK * CHUNK), jnp.int32),
        ],
        scratch_shapes=[pltpu.VMEM((NUM_CHUNKS, C), jnp.float32)],
    )(x_row, W_r, W_k, kc2d)


def _sc_gather(rows512, kc2d, vc2d):
    info = plsc.get_sparse_core_info()
    nc = info.num_cores
    mesh = plsc.VectorSubcoreMesh(core_axis_name="c", subcore_axis_name="s")
    rows_per_w = 16

    @functools.partial(
        pl.kernel,
        mesh=mesh,
        compiler_params=pltpu.CompilerParams(use_tc_tiling_on_sc=True),
        out_type=(jax.ShapeDtypeStruct((TOPK * CHUNK, C), jnp.float32),
                  jax.ShapeDtypeStruct((TOPK * CHUNK, C), jnp.float32)),
        scratch_types=[
            pltpu.VMEM((rows_per_w,), jnp.int32),
            pltpu.VMEM((rows_per_w, C), jnp.float32),
            pltpu.VMEM((rows_per_w, C), jnp.float32),
            pltpu.SemaphoreType.DMA,
            pltpu.SemaphoreType.DMA,
        ],
    )
    def g(idx_hbm, k_hbm, v_hbm, ksel_hbm, vsel_hbm,
          idx_v, kbuf, vbuf, sem_k, sem_v):
        wid = jax.lax.axis_index("s") * nc + jax.lax.axis_index("c")
        base = wid * rows_per_w
        pltpu.sync_copy(idx_hbm.at[pl.ds(base, rows_per_w)], idx_v)
        cpk = pltpu.async_copy(k_hbm.at[idx_v], kbuf, sem_k)
        cpv = pltpu.async_copy(v_hbm.at[idx_v], vbuf, sem_v)
        cpk.wait()
        cpv.wait()
        pltpu.sync_copy(kbuf, ksel_hbm.at[pl.ds(base, rows_per_w)])
        pltpu.sync_copy(vbuf, vsel_hbm.at[pl.ds(base, rows_per_w)])

    return g(rows512, kc2d, vc2d)


def _attn_body(q_ref, ktok_ref, vtok_ref, ksel_ref, vsel_ref, wo_ref, y_ref):
    q = q_ref[...]
    r_ch = jax.lax.broadcasted_iota(jnp.int32, (C, N_HEAD), 0)
    c_h = jax.lax.broadcasted_iota(jnp.int32, (C, N_HEAD), 1)
    emask = (r_ch // HS == c_h).astype(jnp.float32)
    r_h = jax.lax.broadcasted_iota(jnp.int32, (N_HEAD, C), 0)
    c_ch = jax.lax.broadcasted_iota(jnp.int32, (N_HEAD, C), 1)
    emask_t = (c_ch // HS == r_h).astype(jnp.float32)

    T = TOPK * CHUNK
    logits = _dot(ksel_ref[...] * q, emask) * SCALE
    lcur = _dot(ktok_ref[...] * q, emask) * SCALE
    m = jnp.maximum(jnp.max(logits, axis=0, keepdims=True), lcur)
    p = jnp.exp(logits - m)
    pcur = jnp.exp(lcur - m)
    ssum = jnp.sum(p, axis=0, keepdims=True) + pcur
    wfull = _dot(p, emask_t)
    ws = wfull * vsel_ref[...]
    ones = jnp.ones((1, T), jnp.float32)
    ynum = _dot(ones, ws)
    ynum = ynum + _dot(pcur, emask_t) * vtok_ref[...]
    sden = _dot(ssum, emask_t)
    y = ynum / sden
    y_ref[...] = _dotT(y, wo_ref[...])


def _attn(q_row, ktok, vtok, ksel, vsel, W_o):
    return pl.pallas_call(
        _attn_body,
        out_shape=jax.ShapeDtypeStruct((1, C), jnp.float32),
    )(q_row, ktok, vtok, ksel, vsel, W_o)


def kernel(x, k_cache, v_cache, W_r, W_k, W_v, W_o):
    x_row = x.reshape(1, C)
    kc2d = k_cache.reshape(KV, C)
    vc2d = v_cache.reshape(KV, C)
    vnew = _v_side(x_row, W_v, vc2d).reshape(1, KV + 1, C)
    knew, q_row, rows512 = _k_side(x_row, W_r, W_k, kc2d)
    knew = knew.reshape(1, KV + 1, C)
    knew = jax.lax.optimization_barrier(knew)
    vnew = jax.lax.optimization_barrier(vnew)
    ktok = jax.lax.slice(knew, (0, KV, 0), (1, KV + 1, C)).reshape(1, C)
    vtok = jax.lax.slice(vnew, (0, KV, 0), (1, KV + 1, C)).reshape(1, C)
    ksel, vsel = _sc_gather(rows512.reshape(TOPK * CHUNK), kc2d, vc2d)
    y_row = _attn(q_row, ktok, vtok, ksel, vsel, W_o)
    return (y_row.reshape(C), knew, vnew)

# --- scband reference (transcript-rebuilt; emitter-appended) ---
"""Pipeline reference for scband-causal-sparse-attention-52956946760511 (READ-ONLY COPY).

The authoritative reference and input builder live on the scoring server;
editing this copy changes nothing except your own understanding.
"""

import jax, jax.numpy as jnp
import numpy as np

N_HEAD = 16
ATTN_CHUNK_SIZE = 64
ATTN_TOPK = 8
N_EMBD = 1024
KV_LEN = 8192


def setup_inputs(seed: int = 0) -> dict:
    key = jax.random.key(seed)
    ks = jax.random.split(key, 8)
    x = jax.random.normal(ks[0], (N_EMBD,), dtype=jnp.float32)
    k_cache = jax.random.normal(ks[1], (1, KV_LEN, N_EMBD), dtype=jnp.float32)
    v_cache = jax.random.normal(ks[2], (1, KV_LEN, N_EMBD), dtype=jnp.float32)
    W_r = jax.random.normal(ks[3], (N_EMBD, N_EMBD), dtype=jnp.float32) * 0.02
    W_k = jax.random.normal(ks[4], (N_EMBD, N_EMBD), dtype=jnp.float32) * 0.02
    W_v = jax.random.normal(ks[5], (N_EMBD, N_EMBD), dtype=jnp.float32) * 0.02
    W_o = jax.random.normal(ks[6], (N_EMBD, N_EMBD), dtype=jnp.float32) * 0.02
    return {"x": x, "k_cache": k_cache, "v_cache": v_cache,
            "W_r": W_r, "W_k": W_k, "W_v": W_v, "W_o": W_o}


def reference(x, k_cache, v_cache, W_r, W_k, W_v, W_o):
    # CausalSparseAttention.forward_one, sparse decode branch:
    # CT > short_sequence_criteria, CT <= max_kv_cache_size (no cache compression),
    # attn_mode == 'sparse'.
    C = x.shape[-1]
    xb = x.reshape(1, 1, C)
    q = xb @ W_r.T  # (1,1,C)
    k = xb @ W_k.T
    v = xb @ W_v.T
    CT = k_cache.shape[1]
    reminder = CT % ATTN_CHUNK_SIZE
    split = CT - reminder
    k_chunk, k_reminder = k_cache[:, :split, :], k_cache[:, split:, :]
    v_chunk, v_reminder = v_cache[:, :split, :], v_cache[:, split:, :]
    num_chunks = k_chunk.shape[1] // ATTN_CHUNK_SIZE
    k_chunk = k_chunk.reshape(1, num_chunks, ATTN_CHUNK_SIZE, C)
    v_chunk = v_chunk.reshape(1, num_chunks, ATTN_CHUNK_SIZE, C)
    # chunk summary keys: mean over chunk (reads entire KV cache -> memory bound)
    chunk_key = k_chunk.mean(axis=2)  # (1, num_chunks, C)
    chunk_score = jnp.einsum('bqc,bkc->bqk', q, chunk_key)  # (1,1,num_chunks)
    _, topk_idx = jax.lax.top_k(chunk_score, ATTN_TOPK)
    topk_idx = topk_idx.reshape(ATTN_TOPK)  # squeeze()
    topk_k = k_chunk[:, topk_idx].reshape(1, -1, C)  # gather selected chunks
    topk_v = v_chunk[:, topk_idx].reshape(1, -1, C)
    k_comb = jnp.concatenate((topk_k, k_reminder, k), axis=1)
    v_comb = jnp.concatenate((topk_v, v_reminder, v), axis=1)
    new_T = k_comb.shape[1]
    HS = C // N_HEAD
    qh = q.reshape(1, 1, N_HEAD, HS).transpose(0, 2, 1, 3)
    kh = k_comb.reshape(1, new_T, N_HEAD, HS).transpose(0, 2, 1, 3)
    vh = v_comb.reshape(1, new_T, N_HEAD, HS).transpose(0, 2, 1, 3)
    att = jnp.einsum('bhqd,bhkd->bhqk', qh, kh) / jnp.sqrt(jnp.float32(HS))
    att = jax.nn.softmax(att, axis=-1)
    y = jnp.einsum('bhqk,bhkd->bhqd', att, vh)
    y = y.transpose(0, 2, 1, 3).reshape(C)
    y = y @ W_o.T
    k_cache_new = jnp.concatenate((k_cache, k), axis=1)
    v_cache_new = jnp.concatenate((v_cache, v), axis=1)
    return (y, k_cache_new, v_cache_new)

if __name__ == "__main__":
    import jax
    _d = setup_inputs()
    print(jax.jit(kernel)(*tuple(_d.values())))

</pallas_src>

<mosaic_0001>
#map = affine_map<(d0, d1) -> (0)>
#map1 = affine_map<(d0, d1) -> (0, 0)>
module attributes {stable_mosaic.version = 14 : i64} {
  func.func @g(%arg0: i32, %arg1: i32, %arg2: memref<512xi32, #tpu.memory_space<hbm>>, %arg3: memref<8192x1024xf32, #tpu.memory_space<hbm>>, %arg4: memref<8192x1024xf32, #tpu.memory_space<hbm>>, %arg5: memref<512x1024xf32, #tpu.memory_space<hbm>>, %arg6: memref<512x1024xf32, #tpu.memory_space<hbm>>, %arg7: memref<16xi32, #tpu.memory_space<vmem>>, %arg8: memref<16x1024xf32, #tpu.memory_space<vmem>>, %arg9: memref<16x1024xf32, #tpu.memory_space<vmem>>, %arg10: memref<!tpu.dma_semaphore, #tpu.memory_space<semaphore_mem>>, %arg11: memref<!tpu.dma_semaphore, #tpu.memory_space<semaphore_mem>>) attributes {dimension_semantics = [#tpu.dimension_semantics<core_parallel>, #tpu.dimension_semantics<subcore_parallel>], iteration_bounds = array<i64: 2, 16>, scalar_prefetch = 0 : i64, scratch_operands = 5 : i64, tpu.core_type = #tpu.core_type<sc_vector_subcore>, window_params = [{transform_indices = #map}, {transform_indices = #map1}, {transform_indices = #map1}, {transform_indices = #map1}, {transform_indices = #map1}]} {
    %mul3A = arith.constant 2 : i32
    %mul3A_0 = arith.muli %arg1, %mul3A : i32
    %add3A = arith.addi %mul3A_0, %arg0 : i32
    %mul3A_1 = arith.constant 16 : i32
    %mul3A_2 = arith.muli %add3A, %mul3A_1 : i32
    "tpu.region"() ({
      %run_scoped3A = tpu.sem_alloc : memref<!tpu.dma_semaphore, #tpu.memory_space<semaphore_mem>>
      %dma_start3A_13 = tpu.memref_slice %arg2[%mul3A_2] : memref<512xi32, #tpu.memory_space<hbm>> -> memref<16xi32, #tpu.memory_space<hbm>>
      %dma_start3A_14 = tpu.memref_slice %arg2[%mul3A_2] : memref<512xi32, #tpu.memory_space<hbm>> -> memref<16xi32, #tpu.memory_space<hbm>>
      tpu.enqueue_dma source(%dma_start3A_14 : memref<16xi32, #tpu.memory_space<hbm>>) target(%arg7 : memref<16xi32, #tpu.memory_space<vmem>>) target_semaphore(%run_scoped3A : memref<!tpu.dma_semaphore, #tpu.memory_space<semaphore_mem>>)
      %dma_wait3A_15 = tpu.memref_slice %arg2[%mul3A_2] : memref<512xi32, #tpu.memory_space<hbm>> -> memref<16xi32, #tpu.memory_space<hbm>>
      %dma_wait3A_16 = tpu.memref_slice %arg2[%mul3A_2] : memref<512xi32, #tpu.memory_space<hbm>> -> memref<16xi32, #tpu.memory_space<hbm>>
      tpu.wait_dma2 semaphore(%run_scoped3A : memref<!tpu.dma_semaphore, #tpu.memory_space<semaphore_mem>>) src(%dma_wait3A_16 : memref<16xi32, #tpu.memory_space<hbm>>) dst(%arg7 : memref<16xi32, #tpu.memory_space<vmem>>)
      tpu.yield
    }) : () -> ()
    %dma_start3A = arith.constant 0 : i32
    %dma_start3A_3 = arith.constant 0 : i32
    %dma_start3A_4 = tpu.memref_slice %arg3[%dma_start3A, %dma_start3A_3] : memref<8192x1024xf32, #tpu.memory_space<hbm>> -> memref<8192x1024xf32, #tpu.memory_space<hbm>>
    tpu.enqueue_indirect_dma source(%dma_start3A_4 : memref<8192x1024xf32, #tpu.memory_space<hbm>>) target(%arg8 : memref<16x1024xf32, #tpu.memory_space<vmem>>) offsets(%arg7 : memref<16xi32, #tpu.memory_space<vmem>>) semaphore(%arg10 : memref<!tpu.dma_semaphore, #tpu.memory_space<semaphore_mem>>)
    %dma_start3A_5 = arith.constant 0 : i32
    %dma_start3A_6 = arith.constant 0 : i32
    %dma_start3A_7 = tpu.memref_slice %arg4[%dma_start3A_5, %dma_start3A_6] : memref<8192x1024xf32, #tpu.memory_space<hbm>> -> memref<8192x1024xf32, #tpu.memory_space<hbm>>
    tpu.enqueue_indirect_dma source(%dma_start3A_7 : memref<8192x1024xf32, #tpu.memory_space<hbm>>) target(%arg9 : memref<16x1024xf32, #tpu.memory_space<vmem>>) offsets(%arg7 : memref<16xi32, #tpu.memory_space<vmem>>) semaphore(%arg11 : memref<!tpu.dma_semaphore, #tpu.memory_space<semaphore_mem>>)
    %dma_wait3A = arith.constant 0 : i32
    %dma_wait3A_8 = arith.constant 0 : i32
    %dma_wait3A_9 = tpu.memref_slice %arg3[%dma_wait3A, %dma_wait3A_8] : memref<8192x1024xf32, #tpu.memory_space<hbm>> -> memref<8192x1024xf32, #tpu.memory_space<hbm>>
    tpu.wait_indirect_dma semaphore(%arg10 : memref<!tpu.dma_semaphore, #tpu.memory_space<semaphore_mem>>) src(%dma_wait3A_9 : memref<8192x1024xf32, #tpu.memory_space<hbm>>) dst(%arg8 : memref<16x1024xf32, #tpu.memory_space<vmem>>)
    %dma_wait3A_10 = arith.constant 0 : i32
    %dma_wait3A_11 = arith.constant 0 : i32
    %dma_wait3A_12 = tpu.memref_slice %arg4[%dma_wait3A_10, %dma_wait3A_11] : memref<8192x1024xf32, #tpu.memory_space<hbm>> -> memref<8192x1024xf32, #tpu.memory_space<hbm>>
    tpu.wait_indirect_dma semaphore(%arg11 : memref<!tpu.dma_semaphore, #tpu.memory_space<semaphore_mem>>) src(%dma_wait3A_12 : memref<8192x1024xf32, #tpu.memory_space<hbm>>) dst(%arg9 : memref<16x1024xf32, #tpu.memory_space<vmem>>)
    "tpu.region"() ({
      %run_scoped3A = tpu.sem_alloc : memref<!tpu.dma_semaphore, #tpu.memory_space<semaphore_mem>>
      %dma_start3A_13 = arith.constant 0 : i32
      %dma_start3A_14 = tpu.memref_slice %arg5[%mul3A_2, %dma_start3A_13] : memref<512x1024xf32, #tpu.memory_space<hbm>> -> memref<16x1024xf32, #tpu.memory_space<hbm>>
      %dma_start3A_15 = arith.constant 0 : i32
      %dma_start3A_16 = tpu.memref_slice %arg5[%mul3A_2, %dma_start3A_15] : memref<512x1024xf32, #tpu.memory_space<hbm>> -> memref<16x1024xf32, #tpu.memory_space<hbm>>
      tpu.enqueue_dma source(%arg8 : memref<16x1024xf32, #tpu.memory_space<vmem>>) target(%dma_start3A_16 : memref<16x1024xf32, #tpu.memory_space<hbm>>) target_semaphore(%run_scoped3A : memref<!tpu.dma_semaphore, #tpu.memory_space<semaphore_mem>>)
      %dma_wait3A_17 = arith.constant 0 : i32
      %dma_wait3A_18 = tpu.memref_slice %arg5[%mul3A_2, %dma_wait3A_17] : memref<512x1024xf32, #tpu.memory_space<hbm>> -> memref<16x1024xf32, #tpu.memory_space<hbm>>
      %dma_wait3A_19 = arith.constant 0 : i32
      %dma_wait3A_20 = tpu.memref_slice %arg5[%mul3A_2, %dma_wait3A_19] : memref<512x1024xf32, #tpu.memory_space<hbm>> -> memref<16x1024xf32, #tpu.memory_space<hbm>>
      tpu.wait_dma2 semaphore(%run_scoped3A : memref<!tpu.dma_semaphore, #tpu.memory_space<semaphore_mem>>) src(%arg8 : memref<16x1024xf32, #tpu.memory_space<vmem>>) dst(%dma_wait3A_20 : memref<16x1024xf32, #tpu.memory_space<hbm>>)
      tpu.yield
    }) : () -> ()
    "tpu.region"() ({
      %run_scoped3A = tpu.sem_alloc : memref<!tpu.dma_semaphore, #tpu.memory_space<semaphore_mem>>
      %dma_start3A_13 = arith.constant 0 : i32
      %dma_start3A_14 = tpu.memref_slice %arg6[%mul3A_2, %dma_start3A_13] : memref<512x1024xf32, #tpu.memory_space<hbm>> -> memref<16x1024xf32, #tpu.memory_space<hbm>>
      %dma_start3A_15 = arith.constant 0 : i32
      %dma_start3A_16 = tpu.memref_slice %arg6[%mul3A_2, %dma_start3A_15] : memref<512x1024xf32, #tpu.memory_space<hbm>> -> memref<16x1024xf32, #tpu.memory_space<hbm>>
      tpu.enqueue_dma source(%arg9 : memref<16x1024xf32, #tpu.memory_space<vmem>>) target(%dma_start3A_16 : memref<16x1024xf32, #tpu.memory_space<hbm>>) target_semaphore(%run_scoped3A : memref<!tpu.dma_semaphore, #tpu.memory_space<semaphore_mem>>)
      %dma_wait3A_17 = arith.constant 0 : i32
      %dma_wait3A_18 = tpu.memref_slice %arg6[%mul3A_2, %dma_wait3A_17] : memref<512x1024xf32, #tpu.memory_space<hbm>> -> memref<16x1024xf32, #tpu.memory_space<hbm>>
      %dma_wait3A_19 = arith.constant 0 : i32
      %dma_wait3A_20 = tpu.memref_slice %arg6[%mul3A_2, %dma_wait3A_19] : memref<512x1024xf32, #tpu.memory_space<hbm>> -> memref<16x1024xf32, #tpu.memory_space<hbm>>
      tpu.wait_dma2 semaphore(%run_scoped3A : memref<!tpu.dma_semaphore, #tpu.memory_space<semaphore_mem>>) src(%arg9 : memref<16x1024xf32, #tpu.memory_space<vmem>>) dst(%dma_wait3A_20 : memref<16x1024xf32, #tpu.memory_space<hbm>>)
      tpu.yield
    }) : () -> ()
    return
  }
}

module attributes {stable_mosaic.version = 14 : i64} {
  func.func @_attn_body(%arg0: memref<1x1024xf32, #tpu.memory_space<vmem>>, %arg1: memref<1x1024xf32, #tpu.memory_space<vmem>>, %arg2: memref<1x1024xf32, #tpu.memory_space<vmem>>, %arg3: memref<512x1024xf32, #tpu.memory_space<vmem>>, %arg4: memref<512x1024xf32, #tpu.memory_space<vmem>>, %arg5: memref<1024x1024xf32, #tpu.memory_space<vmem>>, %arg6: memref<1x1024xf32, #tpu.memory_space<vmem>>) attributes {dimension_semantics = [], scalar_prefetch = 0 : i64, scratch_operands = 0 : i64, tpu.core_type = #tpu.core_type<tc>} {
    %get3A = arith.constant 0 : index
    %get3A_0 = arith.constant 0 : index
    %get3A_1 = vector.load %arg0[%get3A, %get3A_0] : memref<1x1024xf32, #tpu.memory_space<vmem>>, vector<1x1024xf32>
    %iota3A = tpu.iota {dimensions = array<i32: 0>} : vector<1024x16xi32>
    %iota3A_2 = tpu.iota {dimensions = array<i32: 1>} : vector<1024x16xi32>
    %jit3A = arith.constant 64 : i32
    %div3A = vector.broadcast %jit3A : i32 to vector<1024x16xi32>
    %div3A_3 = arith.divsi %iota3A, %div3A : vector<1024x16xi32>
    %sign3A = arith.constant 0 : i32
    %sign3A_4 = vector.broadcast %sign3A : i32 to vector<1024x16xi32>
    %sign3A_5 = arith.cmpi sgt, %iota3A, %sign3A_4 : vector<1024x16xi32>
    %sign3A_6 = arith.extui %sign3A_5 : vector<1024x16xi1> to vector<1024x16xi32>
    %sign3A_7 = arith.constant 0 : i32
    %sign3A_8 = vector.broadcast %sign3A_7 : i32 to vector<1024x16xi32>
    %sign3A_9 = arith.cmpi slt, %iota3A, %sign3A_8 : vector<1024x16xi32>
    %sign3A_10 = arith.extui %sign3A_9 : vector<1024x16xi1> to vector<1024x16xi32>
    %sign3A_11 = arith.subi %sign3A_6, %sign3A_10 : vector<1024x16xi32>
    %sign3A_12 = arith.constant 0 : i32
    %sign3A_13 = arith.cmpi sgt, %jit3A, %sign3A_12 : i32
    %sign3A_14 = arith.extui %sign3A_13 : i1 to i32
    %sign3A_15 = arith.constant 0 : i32
    %sign3A_16 = arith.cmpi slt, %jit3A, %sign3A_15 : i32
    %sign3A_17 = arith.extui %sign3A_16 : i1 to i32
    %sign3A_18 = arith.subi %sign3A_14, %sign3A_17 : i32
    %ne3A = vector.broadcast %sign3A_18 : i32 to vector<1024x16xi32>
    %ne3A_19 = arith.cmpi ne, %sign3A_11, %ne3A : vector<1024x16xi32>
    %rem3A = vector.broadcast %jit3A : i32 to vector<1024x16xi32>
    %rem3A_20 = arith.remsi %iota3A, %rem3A : vector<1024x16xi32>
    %ne3A_21 = arith.constant 0 : i32
    %ne3A_22 = vector.broadcast %ne3A_21 : i32 to vector<1024x16xi32>
    %ne3A_23 = arith.cmpi ne, %rem3A_20, %ne3A_22 : vector<1024x16xi32>
    %and3A = arith.andi %ne3A_19, %ne3A_23 : vector<1024x16xi1>
    %sub3A = arith.constant 1 : i32
    %sub3A_24 = vector.broadcast %sub3A : i32 to vector<1024x16xi32>
    %sub3A_25 = arith.subi %div3A_3, %sub3A_24 : vector<1024x16xi32>
    %select_n3A = arith.select %and3A, %sub3A_25, %div3A_3 : vector<1024x16xi1>, vector<1024x16xi32>
    %eq3A = arith.cmpi eq, %select_n3A, %iota3A_2 : vector<1024x16xi32>
    %convert_element_type3A = arith.extui %eq3A : vector<1024x16xi1> to vector<1024x16xi32>
    %convert_element_type3A_26 = arith.sitofp %convert_element_type3A : vector<1024x16xi32> to vector<1024x16xf32>
    %iota3A_27 = tpu.iota {dimensions = array<i32: 0>} : vector<16x1024xi32>
    %iota3A_28 = tpu.iota {dimensions = array<i32: 1>} : vector<16x1024xi32>
    %jit3A_29 = arith.constant 64 : i32
    %div3A_30 = vector.broadcast %jit3A_29 : i32 to vector<16x1024xi32>
    %div3A_31 = arith.divsi %iota3A_28, %div3A_30 : vector<16x1024xi32>
    %sign3A_32 = arith.constant 0 : i32
    %sign3A_33 = vector.broadcast %sign3A_32 : i32 to vector<16x1024xi32>
    %sign3A_34 = arith.cmpi sgt, %iota3A_28, %sign3A_33 : vector<16x1024xi32>
    %sign3A_35 = arith.extui %sign3A_34 : vector<16x1024xi1> to vector<16x1024xi32>
    %sign3A_36 = arith.constant 0 : i32
    %sign3A_37 = vector.broadcast %sign3A_36 : i32 to vector<16x1024xi32>
    %sign3A_38 = arith.cmpi slt, %iota3A_28, %sign3A_37 : vector<16x1024xi32>
    %sign3A_39 = arith.extui %sign3A_38 : vector<16x1024xi1> to vector<16x1024xi32>
    %sign3A_40 = arith.subi %sign3A_35, %sign3A_39 : vector<16x1024xi32>
    %sign3A_41 = arith.constant 0 : i32
    %sign3A_42 = arith.cmpi sgt, %jit3A_29, %sign3A_41 : i32
    %sign3A_43 = arith.extui %sign3A_42 : i1 to i32
    %sign3A_44 = arith.constant 0 : i32
    %sign3A_45 = arith.cmpi slt, %jit3A_29, %sign3A_44 : i32
    %sign3A_46 = arith.extui %sign3A_45 : i1 to i32
    %sign3A_47 = arith.subi %sign3A_43, %sign3A_46 : i32
    %ne3A_48 = vector.broadcast %sign3A_47 : i32 to vector<16x1024xi32>
    %ne3A_49 = arith.cmpi ne, %sign3A_40, %ne3A_48 : vector<16x1024xi32>
    %rem3A_50 = vector.broadcast %jit3A_29 : i32 to vector<16x1024xi32>
    %rem3A_51 = arith.remsi %iota3A_28, %rem3A_50 : vector<16x1024xi32>
    %ne3A_52 = arith.constant 0 : i32
    %ne3A_53 = vector.broadcast %ne3A_52 : i32 to vector<16x1024xi32>
    %ne3A_54 = arith.cmpi ne, %rem3A_51, %ne3A_53 : vector<16x1024xi32>
    %and3A_55 = arith.andi %ne3A_49, %ne3A_54 : vector<16x1024xi1>
    %sub3A_56 = arith.constant 1 : i32
    %sub3A_57 = vector.broadcast %sub3A_56 : i32 to vector<16x1024xi32>
    %sub3A_58 = arith.subi %div3A_31, %sub3A_57 : vector<16x1024xi32>
    %select_n3A_59 = arith.select %and3A_55, %sub3A_58, %div3A_31 : vector<16x1024xi1>, vector<16x1024xi32>
    %eq3A_60 = arith.cmpi eq, %select_n3A_59, %iota3A_27 : vector<16x1024xi32>
    %convert_element_type3A_61 = arith.extui %eq3A_60 : vector<16x1024xi1> to vector<16x1024xi32>
    %convert_element_type3A_62 = arith.sitofp %convert_element_type3A_61 : vector<16x1024xi32> to vector<16x1024xf32>
    %get3A_63 = arith.constant 0 : index
    %get3A_64 = arith.constant 0 : index
    %get3A_65 = vector.load %arg3[%get3A_63, %get3A_64] : memref<512x1024xf32, #tpu.memory_space<vmem>>, vector<512x1024xf32>
    %mul3A = vector.broadcast %get3A_1 : vector<1x1024xf32> to vector<512x1024xf32>
    %mul3A_66 = arith.mulf %get3A_65, %mul3A : vector<512x1024xf32>
    %dot_general3A = arith.constant dense<0.000000e+00> : vector<512x16xf32>
    %dot_general3A_67 = tpu.matmul %mul3A_66, %convert_element_type3A_26, %dot_general3A {dimension_numbers = #tpu.dot_dimension_numbers<[1], [0], [0], [1], [0, 0, 1, 1], [], []>, transpose_lhs_hint = false} : vector<512x1024xf32>, vector<1024x16xf32>, vector<512x16xf32> -> vector<512x16xf32>
    %mul3A_68 = arith.constant 1.250000e-01 : f32
    %mul3A_69 = vector.broadcast %mul3A_68 : f32 to vector<512x16xf32>
    %mul3A_70 = arith.mulf %dot_general3A_67, %mul3A_69 : vector<512x16xf32>
    %get3A_71 = arith.constant 0 : index
    %get3A_72 = arith.constant 0 : index
    %get3A_73 = vector.load %arg1[%get3A_71, %get3A_72] : memref<1x1024xf32, #tpu.memory_space<vmem>>, vector<1x1024xf32>
    %mul3A_74 = arith.mulf %get3A_73, %get3A_1 : vector<1x1024xf32>
    %dot_general3A_75 = arith.constant dense<0.000000e+00> : vector<1x16xf32>
    %dot_general3A_76 = tpu.matmul %mul3A_74, %convert_element_type3A_26, %dot_general3A_75 {dimension_numbers = #tpu.dot_dimension_numbers<[1], [0], [0], [1], [0, 0, 1, 1], [], []>, transpose_lhs_hint = false} : vector<1x1024xf32>, vector<1024x16xf32>, vector<1x16xf32> -> vector<1x16xf32>
    %mul3A_77 = arith.constant 1.250000e-01 : f32
    %mul3A_78 = vector.broadcast %mul3A_77 : f32 to vector<1x16xf32>
    %mul3A_79 = arith.mulf %dot_general3A_76, %mul3A_78 : vector<1x16xf32>
    %reduce_max3A = arith.constant dense<0xFF800000> : vector<16xf32>
    %reduce_max3A_80 = vector.multi_reduction <maximumf>, %mul3A_70, %reduce_max3A [0] : vector<512x16xf32> to vector<16xf32>
    %broadcast_in_dim3A = vector.shape_cast %reduce_max3A_80 : vector<16xf32> to vector<1x16xf32>
    %max3A = arith.maximumf %broadcast_in_dim3A, %mul3A_79 : vector<1x16xf32>
    %sub3A_81 = vector.broadcast %max3A : vector<1x16xf32> to vector<512x16xf32>
    %sub3A_82 = arith.subf %mul3A_70, %sub3A_81 : vector<512x16xf32>
    %exp3A = math.exp %sub3A_82 : vector<512x16xf32>
    %sub3A_83 = arith.subf %mul3A_79, %max3A : vector<1x16xf32>
    %exp3A_84 = math.exp %sub3A_83 : vector<1x16xf32>
    %reduce_sum3A = arith.constant dense<0.000000e+00> : vector<16xf32>
    %reduce_sum3A_85 = vector.multi_reduction <add>, %exp3A, %reduce_sum3A [0] : vector<512x16xf32> to vector<16xf32>
    %broadcast_in_dim3A_86 = vector.shape_cast %reduce_sum3A_85 : vector<16xf32> to vector<1x16xf32>
    %add3A = arith.addf %broadcast_in_dim3A_86, %exp3A_84 : vector<1x16xf32>
    %dot_general3A_87 = arith.constant dense<0.000000e+00> : vector<512x1024xf32>
    %dot_general3A_88 = tpu.matmul %exp3A, %convert_element_type3A_62, %dot_general3A_87 {dimension_numbers = #tpu.dot_dimension_numbers<[1], [0], [0], [1], [0, 0, 1, 1], [], []>, transpose_lhs_hint = false} : vector<512x16xf32>, vector<16x1024xf32>, vector<512x1024xf32> -> vector<512x1024xf32>
    %get3A_89 = arith.constant 0 : index
    %get3A_90 = arith.constant 0 : index
    %get3A_91 = vector.load %arg4[%get3A_89, %get3A_90] : memref<512x1024xf32, #tpu.memory_space<vmem>>, vector<512x1024xf32>
    %mul3A_92 = arith.mulf %dot_general3A_88, %get3A_91 : vector<512x1024xf32>
    %broadcast_in_dim3A_93 = arith.constant 1.000000e+00 : f32
    %broadcast_in_dim3A_94 = vector.broadcast %broadcast_in_dim3A_93 : f32 to vector<1x512xf32>
    %dot_general3A_95 = arith.constant dense<0.000000e+00> : vector<1x1024xf32>
    %dot_general3A_96 = tpu.matmul %broadcast_in_dim3A_94, %mul3A_92, %dot_general3A_95 {dimension_numbers = #tpu.dot_dimension_numbers<[1], [0], [0], [1], [0, 0, 1, 1], [], []>, transpose_lhs_hint = false} : vector<1x512xf32>, vector<512x1024xf32>, vector<1x1024xf32> -> vector<1x1024xf32>
    %dot_general3A_97 = arith.constant dense<0.000000e+00> : vector<1x1024xf32>
    %dot_general3A_98 = tpu.matmul %exp3A_84, %convert_element_type3A_62, %dot_general3A_97 {dimension_numbers = #tpu.dot_dimension_numbers<[1], [0], [0], [1], [0, 0, 1, 1], [], []>, transpose_lhs_hint = false} : vector<1x16xf32>, vector<16x1024xf32>, vector<1x1024xf32> -> vector<1x1024xf32>
    %get3A_99 = arith.constant 0 : index
    %get3A_100 = arith.constant 0 : index
    %get3A_101 = vector.load %arg2[%get3A_99, %get3A_100] : memref<1x1024xf32, #tpu.memory_space<vmem>>, vector<1x1024xf32>
    %mul3A_102 = arith.mulf %dot_general3A_98, %get3A_101 : vector<1x1024xf32>
    %add3A_103 = arith.addf %dot_general3A_96, %mul3A_102 : vector<1x1024xf32>
    %dot_general3A_104 = arith.constant dense<0.000000e+00> : vector<1x1024xf32>
    %dot_general3A_105 = tpu.matmul %add3A, %convert_element_type3A_62, %dot_general3A_104 {dimension_numbers = #tpu.dot_dimension_numbers<[1], [0], [0], [1], [0, 0, 1, 1], [], []>, transpose_lhs_hint = false} : vector<1x16xf32>, vector<16x1024xf32>, vector<1x1024xf32> -> vector<1x1024xf32>
    %div3A_106 = arith.divf %add3A_103, %dot_general3A_105 : vector<1x1024xf32>
    %get3A_107 = arith.constant 0 : index
    %get3A_108 = arith.constant 0 : index
    %get3A_109 = vector.load %arg5[%get3A_107, %get3A_108] : memref<1024x1024xf32, #tpu.memory_space<vmem>>, vector<1024x1024xf32>
    %dot_general3A_110 = arith.constant dense<0.000000e+00> : vector<1x1024xf32>
    %dot_general3A_111 = tpu.matmul %div3A_106, %get3A_109, %dot_general3A_110 {dimension_numbers = #tpu.dot_dimension_numbers<[1], [1], [0], [0], [0, 0, 1, 0], [], []>, transpose_lhs_hint = false} : vector<1x1024xf32>, vector<1024x1024xf32>, vector<1x1024xf32> -> vector<1x1024xf32>
    %swap3A = arith.constant 0 : index
    %swap3A_112 = arith.constant 0 : index
    %swap3A_113 = vector.load %arg6[%swap3A, %swap3A_112] : memref<1x1024xf32, #tpu.memory_space<vmem>>, vector<1x1024xf32>
    tpu.vector_store %arg6[%swap3A, %swap3A_112], %dot_general3A_111 {strides = array<i32>} : memref<1x1024xf32, #tpu.memory_space<vmem>>, vector<1x1024xf32>,
    return
  }
}

module attributes {stable_mosaic.version = 14 : i64} {
  func.func @_v_side_body(%arg0: i32, %arg1: memref<1x1024xf32, #tpu.memory_space<vmem>>, %arg2: memref<1024x1024xf32, #tpu.memory_space<vmem>>, %arg3: memref<1024x1024xf32, #tpu.memory_space<vmem>>, %arg4: memref<1024x1024xf32, #tpu.memory_space<vmem>>) attributes {dimension_semantics = [#tpu.dimension_semantics<arbitrary>], iteration_bounds = array<i64: 9>, scalar_prefetch = 0 : i64, scratch_operands = 0 : i64, tpu.core_type = #tpu.core_type<tc>, window_params = [{pipeline_mode = #tpu.pipeline_mode<synchronous>, transform_indices = @transform_0, window_bounds = array<i64: 1, 1024>}, {pipeline_mode = #tpu.pipeline_mode<synchronous>, transform_indices = @transform_1, window_bounds = array<i64: 1024, 1024>}, {transform_indices = @transform_2, window_bounds = array<i64: 1024, 1024>}, {transform_indices = @transform_3, window_bounds = array<i64: 1024, 1024>}]} {
    %lt3A = arith.constant 8 : i32
    %lt3A_0 = arith.cmpi slt, %arg0, %lt3A : i32
    %convert_element_type3A = arith.extui %lt3A_0 : i1 to i32
    %cond3A = arith.constant 0 : i32
    %cond3A_1 = arith.cmpi ne, %convert_element_type3A, %cond3A : i32
    scf.if %cond3A_1 {
      %get3A = arith.constant 0 : index
      %get3A_6 = arith.constant 0 : index
      %get3A_7 = vector.load %arg3[%get3A, %get3A_6] : memref<1024x1024xf32, #tpu.memory_space<vmem>>, vector<1024x1024xf32>
      %swap3A = arith.constant 0 : index
      %swap3A_8 = arith.constant 0 : index
      %swap3A_9 = vector.load %arg4[%swap3A, %swap3A_8] : memref<1024x1024xf32, #tpu.memory_space<vmem>>, vector<1024x1024xf32>
      tpu.vector_store %arg4[%swap3A, %swap3A_8], %get3A_7 {strides = array<i32>} : memref<1024x1024xf32, #tpu.memory_space<vmem>>, vector<1024x1024xf32>,
    } else {
    }
    %eq3A = arith.constant 8 : i32
    %eq3A_2 = arith.cmpi eq, %arg0, %eq3A : i32
    %convert_element_type3A_3 = arith.extui %eq3A_2 : i1 to i32
    %cond3A_4 = arith.constant 0 : i32
    %cond3A_5 = arith.cmpi ne, %convert_element_type3A_3, %cond3A_4 : i32
    scf.if %cond3A_5 {
      %get3A = arith.constant 0 : index
      %get3A_6 = arith.constant 0 : index
      %get3A_7 = vector.load %arg1[%get3A, %get3A_6] : memref<1x1024xf32, #tpu.memory_space<vmem>>, vector<1x1024xf32>
      %get3A_8 = arith.constant 0 : index
      %get3A_9 = arith.constant 0 : index
      %get3A_10 = vector.load %arg2[%get3A_8, %get3A_9] : memref<1024x1024xf32, #tpu.memory_space<vmem>>, vector<1024x1024xf32>
      %dot_general3A = arith.constant dense<0.000000e+00> : vector<1x1024xf32>
      %dot_general3A_11 = tpu.matmul %get3A_7, %get3A_10, %dot_general3A {dimension_numbers = #tpu.dot_dimension_numbers<[1], [1], [0], [0], [0, 0, 1, 0], [], []>, transpose_lhs_hint = false} : vector<1x1024xf32>, vector<1024x1024xf32>, vector<1x1024xf32> -> vector<1x1024xf32>
      %swap3A = arith.constant 0 : index
      %swap3A_12 = arith.constant 0 : index
      %swap3A_13 = vector.load %arg4[%swap3A, %swap3A_12] : memref<1024x1024xf32, #tpu.memory_space<vmem>>, vector<1x1024xf32>
      tpu.vector_store %arg4[%swap3A, %swap3A_12], %dot_general3A_11 {strides = array<i32>} : memref<1024x1024xf32, #tpu.memory_space<vmem>>, vector<1x1024xf32>,
    } else {
    }
    return
  }
  func.func @transform_0(%arg0: i32) -> (i32, i32) {
    %c0_i32 = arith.constant 0 : i32
    %c0_i32_0 = arith.constant 0 : i32
    %c0_i32_1 = arith.constant 0 : i32
    return %c0_i32, %c0_i32_0 : i32, i32
  }
  func.func @transform_1(%arg0: i32) -> (i32, i32) {
    %c0_i32 = arith.constant 0 : i32
    %c0_i32_0 = arith.constant 0 : i32
    %c0_i32_1 = arith.constant 0 : i32
    return %c0_i32, %c0_i32_0 : i32, i32
  }
  func.func @transform_2(%arg0: i32) -> (i32, i32) {
    %min3A = arith.constant 7 : i32
    %min3A_0 = arith.minsi %arg0, %min3A : i32
    %c0_i32 = arith.constant 0 : i32
    %c0_i32_1 = arith.constant 0 : i32
    return %min3A_0, %c0_i32 : i32, i32
  }
  func.func @transform_3(%arg0: i32) -> (i32, i32) {
    %c0_i32 = arith.constant 0 : i32
    %c0_i32_0 = arith.constant 0 : i32
    return %arg0, %c0_i32 : i32, i32
  }
}

module attributes {stable_mosaic.version = 14 : i64} {
  func.func @_k_side_body(%arg0: i32, %arg1: memref<1x1024xf32, #tpu.memory_space<vmem>>, %arg2: memref<1024x1024xf32, #tpu.memory_space<vmem>>, %arg3: memref<1024x1024xf32, #tpu.memory_space<vmem>>, %arg4: memref<1024x1024xf32, #tpu.memory_space<vmem>>, %arg5: memref<1024x1024xf32, #tpu.memory_space<vmem>>, %arg6: memref<1x1024xf32, #tpu.memory_space<vmem>>, %arg7: memref<1x512xi32, #tpu.memory_space<vmem>>, %arg8: memref<128x1024xf32, #tpu.memory_space<vmem>>) attributes {dimension_semantics = [#tpu.dimension_semantics<arbitrary>], iteration_bounds = array<i64: 9>, scalar_prefetch = 0 : i64, scratch_operands = 1 : i64, tpu.core_type = #tpu.core_type<tc>, window_params = [{pipeline_mode = #tpu.pipeline_mode<synchronous>, transform_indices = @transform_0, window_bounds = array<i64: 1, 1024>}, {pipeline_mode = #tpu.pipeline_mode<synchronous>, transform_indices = @transform_1, window_bounds = array<i64: 1024, 1024>}, {pipeline_mode = #tpu.pipeline_mode<synchronous>, transform_indices = @transform_2, window_bounds = array<i64: 1024, 1024>}, {transform_indices = @transform_3, window_bounds = array<i64: 1024, 1024>}, {transform_indices = @transform_4, window_bounds = array<i64: 1024, 1024>}, {pipeline_mode = #tpu.pipeline_mode<synchronous>, transform_indices = @transform_5, window_bounds = array<i64: 1, 1024>}, {pipeline_mode = #tpu.pipeline_mode<synchronous>, transform_indices = @transform_6, window_bounds = array<i64: 1, 512>}]} {
    %lt3A = arith.constant 8 : i32
    %lt3A_0 = arith.cmpi slt, %arg0, %lt3A : i32
    %convert_element_type3A = arith.extui %lt3A_0 : i1 to i32
    %cond3A = arith.constant 0 : i32
    %cond3A_1 = arith.cmpi ne, %convert_element_type3A, %cond3A : i32
    scf.if %cond3A_1 {
      %get3A = arith.constant 0 : index
      %get3A_6 = arith.constant 0 : index
      %get3A_7 = vector.load %arg4[%get3A, %get3A_6] : memref<1024x1024xf32, #tpu.memory_space<vmem>>, vector<1024x1024xf32>
      %swap3A = arith.constant 0 : index
      %swap3A_8 = arith.constant 0 : index
      %swap3A_9 = vector.load %arg5[%swap3A, %swap3A_8] : memref<1024x1024xf32, #tpu.memory_space<vmem>>, vector<1024x1024xf32>
      tpu.vector_store %arg5[%swap3A, %swap3A_8], %get3A_7 {strides = array<i32>} : memref<1024x1024xf32, #tpu.memory_space<vmem>>, vector<1024x1024xf32>,
      %reshape3A = vector.shape_cast %get3A_7 : vector<1024x1024xf32> to vector<16x64x1024xf32>
      %reduce_sum3A = arith.constant dense<0.000000e+00> : vector<16x1024xf32>
      %reduce_sum3A_10 = vector.multi_reduction <add>, %reshape3A, %reduce_sum3A [1] : vector<16x64x1024xf32> to vector<16x1024xf32>
      %mul3A = arith.constant 16 : i32
      %mul3A_11 = arith.muli %arg0, %mul3A : i32
      %swap3A_12 = arith.index_cast %mul3A_11 : i32 to index
      %swap3A_13 = arith.constant 0 : index
      %swap3A_14 = vector.load %arg8[%swap3A_12, %swap3A_13] : memref<128x1024xf32, #tpu.memory_space<vmem>>, vector<16x1024xf32>
      tpu.vector_store %arg8[%swap3A_12, %swap3A_13], %reduce_sum3A_10 {strides = array<i32>} : memref<128x1024xf32, #tpu.memory_space<vmem>>, vector<16x1024xf32>,
    } else {
    }
    %eq3A = arith.constant 8 : i32
    %eq3A_2 = arith.cmpi eq, %arg0, %eq3A : i32
    %convert_element_type3A_3 = arith.extui %eq3A_2 : i1 to i32
    %cond3A_4 = arith.constant 0 : i32
    %cond3A_5 = arith.cmpi ne, %convert_element_type3A_3, %cond3A_4 : i32
    scf.if %cond3A_5 {
      %get3A = arith.constant 0 : index
      %get3A_6 = arith.constant 0 : index
      %get3A_7 = vector.load %arg1[%get3A, %get3A_6] : memref<1x1024xf32, #tpu.memory_space<vmem>>, vector<1x1024xf32>
      %get3A_8 = arith.constant 0 : index
      %get3A_9 = arith.constant 0 : index
      %get3A_10 = vector.load %arg3[%get3A_8, %get3A_9] : memref<1024x1024xf32, #tpu.memory_space<vmem>>, vector<1024x1024xf32>
      %dot_general3A = arith.constant dense<0.000000e+00> : vector<1x1024xf32>
      %dot_general3A_11 = tpu.matmul %get3A_7, %get3A_10, %dot_general3A {dimension_numbers = #tpu.dot_dimension_numbers<[1], [1], [0], [0], [0, 0, 1, 0], [], []>, transpose_lhs_hint = false} : vector<1x1024xf32>, vector<1024x1024xf32>, vector<1x1024xf32> -> vector<1x1024xf32>
      %swap3A = arith.constant 0 : index
      %swap3A_12 = arith.constant 0 : index
      %swap3A_13 = vector.load %arg5[%swap3A, %swap3A_12] : memref<1024x1024xf32, #tpu.memory_space<vmem>>, vector<1x1024xf32>
      tpu.vector_store %arg5[%swap3A, %swap3A_12], %dot_general3A_11 {strides = array<i32>} : memref<1024x1024xf32, #tpu.memory_space<vmem>>, vector<1x1024xf32>,
      %get3A_14 = arith.constant 0 : index
      %get3A_15 = arith.constant 0 : index
      %get3A_16 = vector.load %arg1[%get3A_14, %get3A_15] : memref<1x1024xf32, #tpu.memory_space<vmem>>, vector<1x1024xf32>
      %get3A_17 = arith.constant 0 : index
      %get3A_18 = arith.constant 0 : index
      %get3A_19 = vector.load %arg2[%get3A_17, %get3A_18] : memref<1024x1024xf32, #tpu.memory_space<vmem>>, vector<1024x1024xf32>
      %dot_general3A_20 = arith.constant dense<0.000000e+00> : vector<1x1024xf32>
      %dot_general3A_21 = tpu.matmul %get3A_16, %get3A_19, %dot_general3A_20 {dimension_numbers = #tpu.dot_dimension_numbers<[1], [1], [0], [0], [0, 0, 1, 0], [], []>, transpose_lhs_hint = false} : vector<1x1024xf32>, vector<1024x1024xf32>, vector<1x1024xf32> -> vector<1x1024xf32>
      %swap3A_22 = arith.constant 0 : index
      %swap3A_23 = arith.constant 0 : index
      %swap3A_24 = vector.load %arg6[%swap3A_22, %swap3A_23] : memref<1x1024xf32, #tpu.memory_space<vmem>>, vector<1x1024xf32>
      tpu.vector_store %arg6[%swap3A_22, %swap3A_23], %dot_general3A_21 {strides = array<i32>} : memref<1x1024xf32, #tpu.memory_space<vmem>>, vector<1x1024xf32>,
      %get3A_25 = arith.constant 0 : index
      %get3A_26 = arith.constant 0 : index
      %get3A_27 = vector.load %arg8[%get3A_25, %get3A_26] : memref<128x1024xf32, #tpu.memory_space<vmem>>, vector<128x1024xf32>
      %dot_general3A_28 = arith.constant dense<0.000000e+00> : vector<1x128xf32>
      %dot_general3A_29 = tpu.matmul %dot_general3A_21, %get3A_27, %dot_general3A_28 {dimension_numbers = #tpu.dot_dimension_numbers<[1], [1], [0], [0], [0, 0, 1, 0], [], []>, transpose_lhs_hint = false} : vector<1x1024xf32>, vector<128x1024xf32>, vector<1x128xf32> -> vector<1x128xf32>
      %iota3A = tpu.iota {dimensions = array<i32: 1>} : vector<1x128xi32>
      %iota3A_30 = tpu.iota {dimensions = array<i32: 1>} : vector<1x512xi32>
      %jit3A = arith.constant 64 : i32
      %eq3A_31 = arith.constant 0 : i32
      %eq3A_32 = arith.cmpi eq, %jit3A, %eq3A_31 : i32
      %jit3A_33 = arith.constant 1 : i32
      %select_n3A = arith.select %eq3A_32, %jit3A_33, %jit3A : i32
      %rem3A = vector.broadcast %select_n3A : i32 to vector<1x512xi32>
      %rem3A_34 = arith.remsi %iota3A_30, %rem3A : vector<1x512xi32>
      %ne3A = arith.constant 0 : i32
      %ne3A_35 = vector.broadcast %ne3A : i32 to vector<1x512xi32>
      %ne3A_36 = arith.cmpi ne, %rem3A_34, %ne3A_35 : vector<1x512xi32>
      %lt3A_37 = arith.constant 0 : i32
      %lt3A_38 = vector.broadcast %lt3A_37 : i32 to vector<1x512xi32>
      %lt3A_39 = arith.cmpi slt, %rem3A_34, %lt3A_38 : vector<1x512xi32>
      %lt3A_40 = arith.constant 0 : i32
      %lt3A_41 = arith.cmpi slt, %select_n3A, %lt3A_40 : i32
      %ne3A_42 = vector.broadcast %lt3A_41 : i1 to vector<1x512xi1>
      %ne3A_43 = vector.broadcast %ne3A_42 : vector<1x512xi1> to vector<1x512xi1>
      %ne3A_44 = arith.xori %lt3A_39, %ne3A_43 : vector<1x512xi1>
      %and3A = arith.andi %ne3A_44, %ne3A_36 : vector<1x512xi1>
      %add3A = vector.broadcast %select_n3A : i32 to vector<1x512xi32>
      %add3A_45 = arith.addi %rem3A_34, %add3A : vector<1x512xi32>
      %select_n3A_46 = arith.select %and3A, %add3A_45, %rem3A_34 : vector<1x512xi1>, vector<1x512xi32>
      %reduce_max3A = vector.shape_cast %dot_general3A_29 : vector<1x128xf32> to vector<1x1x128xf32>
      %reduce_max3A_47 = arith.constant dense<0xFF800000> : vector<1xf32>
      %reduce_max3A_48 = vector.multi_reduction <maximumf>, %reduce_max3A, %reduce_max3A_47 [1, 2] : vector<1x1x128xf32> to vector<1xf32>
      %reduce_max3A_49 = vector.shape_cast %reduce_max3A_48 : vector<1xf32> to vector<1x1x1xf32>
      %reduce_max3A_50 = vector.extract %reduce_max3A_49[0, 0, 0] : f32 from vector<1x1x1xf32>
      %eq3A_51 = vector.broadcast %reduce_max3A_50 : f32 to vector<1x128xf32>
      %eq3A_52 = arith.cmpf oeq, %dot_general3A_29, %eq3A_51 : vector<1x128xf32>
      %jit3A_53 = arith.constant 128 : i32
      %broadcast_in_dim3A = vector.broadcast %jit3A_53 : i32 to vector<1x128xi32>
      %select_n3A_54 = arith.select %eq3A_52, %iota3A, %broadcast_in_dim3A : vector<1x128xi1>, vector<1x128xi32>
      %reduce_min3A = vector.shape_cast %select_n3A_54 : vector<1x128xi32> to vector<1x1x128xi32>
      %reduce_min3A_55 = arith.constant dense<2147483647> : vector<1xi32>
      %reduce_min3A_56 = vector.multi_reduction <minsi>, %reduce_min3A, %reduce_min3A_55 [1, 2] : vector<1x1x128xi32> to vector<1xi32>
      %reduce_min3A_57 = vector.shape_cast %reduce_min3A_56 : vector<1xi32> to vector<1x1x1xi32>
      %reduce_min3A_58 = vector.extract %reduce_min3A_57[0, 0, 0] : i32 from vector<1x1x1xi32>
      %jit3A_59 = arith.constant 64 : i32
      %div3A = vector.broadcast %jit3A_59 : i32 to vector<1x512xi32>
      %div3A_60 = arith.divsi %iota3A_30, %div3A : vector<1x512xi32>
      %sign3A = arith.constant 0 : i32
      %sign3A_61 = vector.broadcast %sign3A : i32 to vector<1x512xi32>
      %sign3A_62 = arith.cmpi sgt, %iota3A_30, %sign3A_61 : vector<1x512xi32>
      %sign3A_63 = arith.extui %sign3A_62 : vector<1x512xi1> to vector<1x512xi32>
      %sign3A_64 = arith.constant 0 : i32
      %sign3A_65 = vector.broadcast %sign3A_64 : i32 to vector<1x512xi32>
      %sign3A_66 = arith.cmpi slt, %iota3A_30, %sign3A_65 : vector<1x512xi32>
      %sign3A_67 = arith.extui %sign3A_66 : vector<1x512xi1> to vector<1x512xi32>
      %sign3A_68 = arith.subi %sign3A_63, %sign3A_67 : vector<1x512xi32>
      %sign3A_69 = arith.constant 0 : i32
      %sign3A_70 = arith.cmpi sgt, %jit3A_59, %sign3A_69 : i32
      %sign3A_71 = arith.extui %sign3A_70 : i1 to i32
      %sign3A_72 = arith.constant 0 : i32
      %sign3A_73 = arith.cmpi slt, %jit3A_59, %sign3A_72 : i32
      %sign3A_74 = arith.extui %sign3A_73 : i1 to i32
      %sign3A_75 = arith.subi %sign3A_71, %sign3A_74 : i32
      %ne3A_76 = vector.broadcast %sign3A_75 : i32 to vector<1x512xi32>
      %ne3A_77 = arith.cmpi ne, %sign3A_68, %ne3A_76 : vector<1x512xi32>
      %rem3A_78 = vector.broadcast %jit3A_59 : i32 to vector<1x512xi32>
      %rem3A_79 = arith.remsi %iota3A_30, %rem3A_78 : vector<1x512xi32>
      %ne3A_80 = arith.constant 0 : i32
      %ne3A_81 = vector.broadcast %ne3A_80 : i32 to vector<1x512xi32>
      %ne3A_82 = arith.cmpi ne, %rem3A_79, %ne3A_81 : vector<1x512xi32>
      %and3A_83 = arith.andi %ne3A_77, %ne3A_82 : vector<1x512xi1>
      %sub3A = arith.constant 1 : i32
      %sub3A_84 = vector.broadcast %sub3A : i32 to vector<1x512xi32>
      %sub3A_85 = arith.subi %div3A_60, %sub3A_84 : vector<1x512xi32>
      %select_n3A_86 = arith.select %and3A_83, %sub3A_85, %div3A_60 : vector<1x512xi1>, vector<1x512xi32>
      %eq3A_87 = arith.constant 0 : i32
      %eq3A_88 = vector.broadcast %eq3A_87 : i32 to vector<1x512xi32>
      %eq3A_89 = arith.cmpi eq, %select_n3A_86, %eq3A_88 : vector<1x512xi32>
      %mul3A = arith.constant 64 : i32
      %mul3A_90 = arith.muli %reduce_min3A_58, %mul3A : i32
      %jit3A_91 = arith.constant 0 : i32
      %broadcast_in_dim3A_92 = vector.broadcast %mul3A_90 : i32 to vector<1x512xi32>
      %broadcast_in_dim3A_93 = vector.broadcast %jit3A_91 : i32 to vector<1x512xi32>
      %select_n3A_94 = arith.select %eq3A_89, %broadcast_in_dim3A_92, %broadcast_in_dim3A_93 : vector<1x512xi1>, vector<1x512xi32>
      %add3A_95 = arith.addi %select_n3A_46, %select_n3A_94 : vector<1x512xi32>
      %eq3A_96 = vector.broadcast %reduce_min3A_58 : i32 to vector<1x128xi32>
      %eq3A_97 = arith.cmpi eq, %iota3A, %eq3A_96 : vector<1x128xi32>
      %jit3A_98 = arith.constant 0xFF800000 : f32
      %broadcast_in_dim3A_99 = vector.broadcast %jit3A_98 : f32 to vector<1x128xf32>
      %select_n3A_100 = arith.select %eq3A_97, %broadcast_in_dim3A_99, %dot_general3A_29 : vector<1x128xi1>, vector<1x128xf32>
      %reduce_max3A_101 = vector.shape_cast %select_n3A_100 : vector<1x128xf32> to vector<1x1x128xf32>
      %reduce_max3A_102 = arith.constant dense<0xFF800000> : vector<1xf32>
      %reduce_max3A_103 = vector.multi_reduction <maximumf>, %reduce_max3A_101, %reduce_max3A_102 [1, 2] : vector<1x1x128xf32> to vector<1xf32>
      %reduce_max3A_104 = vector.shape_cast %reduce_max3A_103 : vector<1xf32> to vector<1x1x1xf32>
      %reduce_max3A_105 = vector.extract %reduce_max3A_104[0, 0, 0] : f32 from vector<1x1x1xf32>
      %eq3A_106 = vector.broadcast %reduce_max3A_105 : f32 to vector<1x128xf32>
      %eq3A_107 = arith.cmpf oeq, %select_n3A_100, %eq3A_106 : vector<1x128xf32>
      %jit3A_108 = arith.constant 128 : i32
      %broadcast_in_dim3A_109 = vector.broadcast %jit3A_108 : i32 to vector<1x128xi32>
      %select_n3A_110 = arith.select %eq3A_107, %iota3A, %broadcast_in_dim3A_109 : vector<1x128xi1>, vector<1x128xi32>
      %reduce_min3A_111 = vector.shape_cast %select_n3A_110 : vector<1x128xi32> to vector<1x1x128xi32>
      %reduce_min3A_112 = arith.constant dense<2147483647> : vector<1xi32>
      %reduce_min3A_113 = vector.multi_reduction <minsi>, %reduce_min3A_111, %reduce_min3A_112 [1, 2] : vector<1x1x128xi32> to vector<1xi32>
      %reduce_min3A_114 = vector.shape_cast %reduce_min3A_113 : vector<1xi32> to vector<1x1x1xi32>
      %reduce_min3A_115 = vector.extract %reduce_min3A_114[0, 0, 0] : i32 from vector<1x1x1xi32>
      %jit3A_116 = arith.constant 64 : i32
      %div3A_117 = vector.broadcast %jit3A_116 : i32 to vector<1x512xi32>
      %div3A_118 = arith.divsi %iota3A_30, %div3A_117 : vector<1x512xi32>
      %sign3A_119 = arith.constant 0 : i32
      %sign3A_120 = vector.broadcast %sign3A_119 : i32 to vector<1x512xi32>
      %sign3A_121 = arith.cmpi sgt, %iota3A_30, %sign3A_120 : vector<1x512xi32>
      %sign3A_122 = arith.extui %sign3A_121 : vector<1x512xi1> to vector<1x512xi32>
      %sign3A_123 = arith.constant 0 : i32
      %sign3A_124 = vector.broadcast %sign3A_123 : i32 to vector<1x512xi32>
      %sign3A_125 = arith.cmpi slt, %iota3A_30, %sign3A_124 : vector<1x512xi32>
      %sign3A_126 = arith.extui %sign3A_125 : vector<1x512xi1> to vector<1x512xi32>
      %sign3A_127 = arith.subi %sign3A_122, %sign3A_126 : vector<1x512xi32>
      %sign3A_128 = arith.constant 0 : i32
      %sign3A_129 = arith.cmpi sgt, %jit3A_116, %sign3A_128 : i32
      %sign3A_130 = arith.extui %sign3A_129 : i1 to i32
      %sign3A_131 = arith.constant 0 : i32
      %sign3A_132 = arith.cmpi slt, %jit3A_116, %sign3A_131 : i32
      %sign3A_133 = arith.extui %sign3A_132 : i1 to i32
      %sign3A_134 = arith.subi %sign3A_130, %sign3A_133 : i32
      %ne3A_135 = vector.broadcast %sign3A_134 : i32 to vector<1x512xi32>
      %ne3A_136 = arith.cmpi ne, %sign3A_127, %ne3A_135 : vector<1x512xi32>
      %rem3A_137 = vector.broadcast %jit3A_116 : i32 to vector<1x512xi32>
      %rem3A_138 = arith.remsi %iota3A_30, %rem3A_137 : vector<1x512xi32>
      %ne3A_139 = arith.constant 0 : i32
      %ne3A_140 = vector.broadcast %ne3A_139 : i32 to vector<1x512xi32>
      %ne3A_141 = arith.cmpi ne, %rem3A_138, %ne3A_140 : vector<1x512xi32>
      %and3A_142 = arith.andi %ne3A_136, %ne3A_141 : vector<1x512xi1>
      %sub3A_143 = arith.constant 1 : i32
      %sub3A_144 = vector.broadcast %sub3A_143 : i32 to vector<1x512xi32>
      %sub3A_145 = arith.subi %div3A_118, %sub3A_144 : vector<1x512xi32>
      %select_n3A_146 = arith.select %and3A_142, %sub3A_145, %div3A_118 : vector<1x512xi1>, vector<1x512xi32>
      %eq3A_147 = arith.constant 1 : i32
      %eq3A_148 = vector.broadcast %eq3A_147 : i32 to vector<1x512xi32>
      %eq3A_149 = arith.cmpi eq, %select_n3A_146, %eq3A_148 : vector<1x512xi32>
      %mul3A_150 = arith.constant 64 : i32
      %mul3A_151 = arith.muli %reduce_min3A_115, %mul3A_150 : i32
      %jit3A_152 = arith.constant 0 : i32
      %broadcast_in_dim3A_153 = vector.broadcast %mul3A_151 : i32 to vector<1x512xi32>
      %broadcast_in_dim3A_154 = vector.broadcast %jit3A_152 : i32 to vector<1x512xi32>
      %select_n3A_155 = arith.select %eq3A_149, %broadcast_in_dim3A_153, %broadcast_in_dim3A_154 : vector<1x512xi1>, vector<1x512xi32>
      %add3A_156 = arith.addi %add3A_95, %select_n3A_155 : vector<1x512xi32>
      %eq3A_157 = vector.broadcast %reduce_min3A_115 : i32 to vector<1x128xi32>
      %eq3A_158 = arith.cmpi eq, %iota3A, %eq3A_157 : vector<1x128xi32>
      %jit3A_159 = arith.constant 0xFF800000 : f32
      %broadcast_in_dim3A_160 = vector.broadcast %jit3A_159 : f32 to vector<1x128xf32>
      %select_n3A_161 = arith.select %eq3A_158, %broadcast_in_dim3A_160, %select_n3A_100 : vector<1x128xi1>, vector<1x128xf32>
      %reduce_max3A_162 = vector.shape_cast %select_n3A_161 : vector<1x128xf32> to vector<1x1x128xf32>
      %reduce_max3A_163 = arith.constant dense<0xFF800000> : vector<1xf32>
      %reduce_max3A_164 = vector.multi_reduction <maximumf>, %reduce_max3A_162, %reduce_max3A_163 [1, 2] : vector<1x1x128xf32> to vector<1xf32>
      %reduce_max3A_165 = vector.shape_cast %reduce_max3A_164 : vector<1xf32> to vector<1x1x1xf32>
      %reduce_max3A_166 = vector.extract %reduce_max3A_165[0, 0, 0] : f32 from vector<1x1x1xf32>
      %eq3A_167 = vector.broadcast %reduce_max3A_166 : f32 to vector<1x128xf32>
      %eq3A_168 = arith.cmpf oeq, %select_n3A_161, %eq3A_167 : vector<1x128xf32>
      %jit3A_169 = arith.constant 128 : i32
      %broadcast_in_dim3A_170 = vector.broadcast %jit3A_169 : i32 to vector<1x128xi32>
      %select_n3A_171 = arith.select %eq3A_168, %iota3A, %broadcast_in_dim3A_170 : vector<1x128xi1>, vector<1x128xi32>
      %reduce_min3A_172 = vector.shape_cast %select_n3A_171 : vector<1x128xi32> to vector<1x1x128xi32>
      %reduce_min3A_173 = arith.constant dense<2147483647> : vector<1xi32>
      %reduce_min3A_174 = vector.multi_reduction <minsi>, %reduce_min3A_172, %reduce_min3A_173 [1, 2] : vector<1x1x128xi32> to vector<1xi32>
      %reduce_min3A_175 = vector.shape_cast %reduce_min3A_174 : vector<1xi32> to vector<1x1x1xi32>
      %reduce_min3A_176 = vector.extract %reduce_min3A_175[0, 0, 0] : i32 from vector<1x1x1xi32>
      %jit3A_177 = arith.constant 64 : i32
      %div3A_178 = vector.broadcast %jit3A_177 : i32 to vector<1x512xi32>
      %div3A_179 = arith.divsi %iota3A_30, %div3A_178 : vector<1x512xi32>
      %sign3A_180 = arith.constant 0 : i32
      %sign3A_181 = vector.broadcast %sign3A_180 : i32 to vector<1x512xi32>
      %sign3A_182 = arith.cmpi sgt, %iota3A_30, %sign3A_181 : vector<1x512xi32>
      %sign3A_183 = arith.extui %sign3A_182 : vector<1x512xi1> to vector<1x512xi32>
      %sign3A_184 = arith.constant 0 : i32
      %sign3A_185 = vector.broadcast %sign3A_184 : i32 to vector<1x512xi32>
      %sign3A_186 = arith.cmpi slt, %iota3A_30, %sign3A_185 : vector<1x512xi32>
      %sign3A_187 = arith.extui %sign3A_186 : vector<1x512xi1> to vector<1x512xi32>
      %sign3A_188 = arith.subi %sign3A_183, %sign3A_187 : vector<1x512xi32>
      %sign3A_189 = arith.constant 0 : i32
      %sign3A_190 = arith.cmpi sgt, %jit3A_177, %sign3A_189 : i32
      %sign3A_191 = arith.extui %sign3A_190 : i1 to i32
      %sign3A_192 = arith.constant 0 : i32
      %sign3A_193 = arith.cmpi slt, %jit3A_177, %sign3A_192 : i32
      %sign3A_194 = arith.extui %sign3A_193 : i1 to i32
      %sign3A_195 = arith.subi %sign3A_191, %sign3A_194 : i32
      %ne3A_196 = vector.broadcast %sign3A_195 : i32 to vector<1x512xi32>
      %ne3A_197 = arith.cmpi ne, %sign3A_188, %ne3A_196 : vector<1x512xi32>
      %rem3A_198 = vector.broadcast %jit3A_177 : i32 to vector<1x512xi32>
      %rem3A_199 = arith.remsi %iota3A_30, %rem3A_198 : vector<1x512xi32>
      %ne3A_200 = arith.constant 0 : i32
      %ne3A_201 = vector.broadcast %ne3A_200 : i32 to vector<1x512xi32>
      %ne3A_202 = arith.cmpi ne, %rem3A_199, %ne3A_201 : vector<1x512xi32>
      %and3A_203 = arith.andi %ne3A_197, %ne3A_202 : vector<1x512xi1>
      %sub3A_204 = arith.constant 1 : i32
      %sub3A_205 = vector.broadcast %sub3A_204 : i32 to vector<1x512xi32>
      %sub3A_206 = arith.subi %div3A_179, %sub3A_205 : vector<1x512xi32>
      %select_n3A_207 = arith.select %and3A_203, %sub3A_206, %div3A_179 : vector<1x512xi1>, vector<1x512xi32>
      %eq3A_208 = arith.constant 2 : i32
      %eq3A_209 = vector.broadcast %eq3A_208 : i32 to vector<1x512xi32>
      %eq3A_210 = arith.cmpi eq, %select_n3A_207, %eq3A_209 : vector<1x512xi32>
      %mul3A_211 = arith.constant 64 : i32
      %mul3A_212 = arith.muli %reduce_min3A_176, %mul3A_211 : i32
      %jit3A_213 = arith.constant 0 : i32
      %broadcast_in_dim3A_214 = vector.broadcast %mul3A_212 : i32 to vector<1x512xi32>
      %broadcast_in_dim3A_215 = vector.broadcast %jit3A_213 : i32 to vector<1x512xi32>
      %select_n3A_216 = arith.select %eq3A_210, %broadcast_in_dim3A_214, %broadcast_in_dim3A_215 : vector<1x512xi1>, vector<1x512xi32>
      %add3A_217 = arith.addi %add3A_156, %select_n3A_216 : vector<1x512xi32>
      %eq3A_218 = vector.broadcast %reduce_min3A_176 : i32 to vector<1x128xi32>
      %eq3A_219 = arith.cmpi eq, %iota3A, %eq3A_218 : vector<1x128xi32>
      %jit3A_220 = arith.constant 0xFF800000 : f32
      %broadcast_in_dim3A_221 = vector.broadcast %jit3A_220 : f32 to vector<1x128xf32>
      %select_n3A_222 = arith.select %eq3A_219, %broadcast_in_dim3A_221, %select_n3A_161 : vector<1x128xi1>, vector<1x128xf32>
      %reduce_max3A_223 = vector.shape_cast %select_n3A_222 : vector<1x128xf32> to vector<1x1x128xf32>
      %reduce_max3A_224 = arith.constant dense<0xFF800000> : vector<1xf32>
      %reduce_max3A_225 = vector.multi_reduction <maximumf>, %reduce_max3A_223, %reduce_max3A_224 [1, 2] : vector<1x1x128xf32> to vector<1xf32>
      %reduce_max3A_226 = vector.shape_cast %reduce_max3A_225 : vector<1xf32> to vector<1x1x1xf32>
      %reduce_max3A_227 = vector.extract %reduce_max3A_226[0, 0, 0] : f32 from vector<1x1x1xf32>
      %eq3A_228 = vector.broadcast %reduce_max3A_227 : f32 to vector<1x128xf32>
      %eq3A_229 = arith.cmpf oeq, %select_n3A_222, %eq3A_228 : vector<1x128xf32>
      %jit3A_230 = arith.constant 128 : i32
      %broadcast_in_dim3A_231 = vector.broadcast %jit3A_230 : i32 to vector<1x128xi32>
      %select_n3A_232 = arith.select %eq3A_229, %iota3A, %broadcast_in_dim3A_231 : vector<1x128xi1>, vector<1x128xi32>
      %reduce_min3A_233 = vector.shape_cast %select_n3A_232 : vector<1x128xi32> to vector<1x1x128xi32>
      %reduce_min3A_234 = arith.constant dense<2147483647> : vector<1xi32>
      %reduce_min3A_235 = vector.multi_reduction <minsi>, %reduce_min3A_233, %reduce_min3A_234 [1, 2] : vector<1x1x128xi32> to vector<1xi32>
      %reduce_min3A_236 = vector.shape_cast %reduce_min3A_235 : vector<1xi32> to vector<1x1x1xi32>
      %reduce_min3A_237 = vector.extract %reduce_min3A_236[0, 0, 0] : i32 from vector<1x1x1xi32>
      %jit3A_238 = arith.constant 64 : i32
      %div3A_239 = vector.broadcast %jit3A_238 : i32 to vector<1x512xi32>
      %div3A_240 = arith.divsi %iota3A_30, %div3A_239 : vector<1x512xi32>
      %sign3A_241 = arith.constant 0 : i32
      %sign3A_242 = vector.broadcast %sign3A_241 : i32 to vector<1x512xi32>
      %sign3A_243 = arith.cmpi sgt, %iota3A_30, %sign3A_242 : vector<1x512xi32>
      %sign3A_244 = arith.extui %sign3A_243 : vector<1x512xi1> to vector<1x512xi32>
      %sign3A_245 = arith.constant 0 : i32
      %sign3A_246 = vector.broadcast %sign3A_245 : i32 to vector<1x512xi32>
      %sign3A_247 = arith.cmpi slt, %iota3A_30, %sign3A_246 : vector<1x512xi32>
      %sign3A_248 = arith.extui %sign3A_247 : vector<1x512xi1> to vector<1x512xi32>
      %sign3A_249 = arith.subi %sign3A_244, %sign3A_248 : vector<1x512xi32>
      %sign3A_250 = arith.constant 0 : i32
      %sign3A_251 = arith.cmpi sgt, %jit3A_238, %sign3A_250 : i32
      %sign3A_252 = arith.extui %sign3A_251 : i1 to i32
      %sign3A_253 = arith.constant 0 : i32
      %sign3A_254 = arith.cmpi slt, %jit3A_238, %sign3A_253 : i32
      %sign3A_255 = arith.extui %sign3A_254 : i1 to i32
      %sign3A_256 = arith.subi %sign3A_252, %sign3A_255 : i32
      %ne3A_257 = vector.broadcast %sign3A_256 : i32 to vector<1x512xi32>
      %ne3A_258 = arith.cmpi ne, %sign3A_249, %ne3A_257 : vector<1x512xi32>
      %rem3A_259 = vector.broadcast %jit3A_238 : i32 to vector<1x512xi32>
      %rem3A_260 = arith.remsi %iota3A_30, %rem3A_259 : vector<1x512xi32>
      %ne3A_261 = arith.constant 0 : i32
      %ne3A_262 = vector.broadcast %ne3A_261 : i32 to vector<1x512xi32>
      %ne3A_263 = arith.cmpi ne, %rem3A_260, %ne3A_262 : vector<1x512xi32>
      %and3A_264 = arith.andi %ne3A_258, %ne3A_263 : vector<1x512xi1>
      %sub3A_265 = arith.constant 1 : i32
      %sub3A_266 = vector.broadcast %sub3A_265 : i32 to vector<1x512xi32>
      %sub3A_267 = arith.subi %div3A_240, %sub3A_266 : vector<1x512xi32>
      %select_n3A_268 = arith.select %and3A_264, %sub3A_267, %div3A_240 : vector<1x512xi1>, vector<1x512xi32>
      %eq3A_269 = arith.constant 3 : i32
      %eq3A_270 = vector.broadcast %eq3A_269 : i32 to vector<1x512xi32>
      %eq3A_271 = arith.cmpi eq, %select_n3A_268, %eq3A_270 : vector<1x512xi32>
      %mul3A_272 = arith.constant 64 : i32
      %mul3A_273 = arith.muli %reduce_min3A_237, %mul3A_272 : i32
      %jit3A_274 = arith.constant 0 : i32
      %broadcast_in_dim3A_275 = vector.broadcast %mul3A_273 : i32 to vector<1x512xi32>
      %broadcast_in_dim3A_276 = vector.broadcast %jit3A_274 : i32 to vector<1x512xi32>
      %select_n3A_277 = arith.select %eq3A_271, %broadcast_in_dim3A_275, %broadcast_in_dim3A_276 : vector<1x512xi1>, vector<1x512xi32>
      %add3A_278 = arith.addi %add3A_217, %select_n3A_277 : vector<1x512xi32>
      %eq3A_279 = vector.broadcast %reduce_min3A_237 : i32 to vector<1x128xi32>
      %eq3A_280 = arith.cmpi eq, %iota3A, %eq3A_279 : vector<1x128xi32>
      %jit3A_281 = arith.constant 0xFF800000 : f32
      %broadcast_in_dim3A_282 = vector.broadcast %jit3A_281 : f32 to vector<1x128xf32>
      %select_n3A_283 = arith.select %eq3A_280, %broadcast_in_dim3A_282, %select_n3A_222 : vector<1x128xi1>, vector<1x128xf32>
      %reduce_max3A_284 = vector.shape_cast %select_n3A_283 : vector<1x128xf32> to vector<1x1x128xf32>
      %reduce_max3A_285 = arith.constant dense<0xFF800000> : vector<1xf32>
      %reduce_max3A_286 = vector.multi_reduction <maximumf>, %reduce_max3A_284, %reduce_max3A_285 [1, 2] : vector<1x1x128xf32> to vector<1xf32>
      %reduce_max3A_287 = vector.shape_cast %reduce_max3A_286 : vector<1xf32> to vector<1x1x1xf32>
      %reduce_max3A_288 = vector.extract %reduce_max3A_287[0, 0, 0] : f32 from vector<1x1x1xf32>
      %eq3A_289 = vector.broadcast %reduce_max3A_288 : f32 to vector<1x128xf32>
      %eq3A_290 = arith.cmpf oeq, %select_n3A_283, %eq3A_289 : vector<1x128xf32>
      %jit3A_291 = arith.constant 128 : i32
      %broadcast_in_dim3A_292 = vector.broadcast %jit3A_291 : i32 to vector<1x128xi32>
      %select_n3A_293 = arith.select %eq3A_290, %iota3A, %broadcast_in_dim3A_292 : vector<1x128xi1>, vector<1x128xi32>
      %reduce_min3A_294 = vector.shape_cast %select_n3A_293 : vector<1x128xi32> to vector<1x1x128xi32>
      %reduce_min3A_295 = arith.constant dense<2147483647> : vector<1xi32>
      %reduce_min3A_296 = vector.multi_reduction <minsi>, %reduce_min3A_294, %reduce_min3A_295 [1, 2] : vector<1x1x128xi32> to vector<1xi32>
      %reduce_min3A_297 = vector.shape_cast %reduce_min3A_296 : vector<1xi32> to vector<1x1x1xi32>
      %reduce_min3A_298 = vector.extract %reduce_min3A_297[0, 0, 0] : i32 from vector<1x1x1xi32>
      %jit3A_299 = arith.constant 64 : i32
      %div3A_300 = vector.broadcast %jit3A_299 : i32 to vector<1x512xi32>
      %div3A_301 = arith.divsi %iota3A_30, %div3A_300 : vector<1x512xi32>
      %sign3A_302 = arith.constant 0 : i32
      %sign3A_303 = vector.broadcast %sign3A_302 : i32 to vector<1x512xi32>
      %sign3A_304 = arith.cmpi sgt, %iota3A_30, %sign3A_303 : vector<1x512xi32>
      %sign3A_305 = arith.extui %sign3A_304 : vector<1x512xi1> to vector<1x512xi32>
      %sign3A_306 = arith.constant 0 : i32
      %sign3A_307 = vector.broadcast %sign3A_306 : i32 to vector<1x512xi32>
      %sign3A_308 = arith.cmpi slt, %iota3A_30, %sign3A_307 : vector<1x512xi32>
      %sign3A_309 = arith.extui %sign3A_308 : vector<1x512xi1> to vector<1x512xi32>
      %sign3A_310 = arith.subi %sign3A_305, %sign3A_309 : vector<1x512xi32>
      %sign3A_311 = arith.constant 0 : i32
      %sign3A_312 = arith.cmpi sgt, %jit3A_299, %sign3A_311 : i32
      %sign3A_313 = arith.extui %sign3A_312 : i1 to i32
      %sign3A_314 = arith.constant 0 : i32
      %sign3A_315 = arith.cmpi slt, %jit3A_299, %sign3A_314 : i32
      %sign3A_316 = arith.extui %sign3A_315 : i1 to i32
      %sign3A_317 = arith.subi %sign3A_313, %sign3A_316 : i32
      %ne3A_318 = vector.broadcast %sign3A_317 : i32 to vector<1x512xi32>
      %ne3A_319 = arith.cmpi ne, %sign3A_310, %ne3A_318 : vector<1x512xi32>
      %rem3A_320 = vector.broadcast %jit3A_299 : i32 to vector<1x512xi32>
      %rem3A_321 = arith.remsi %iota3A_30, %rem3A_320 : vector<1x512xi32>
      %ne3A_322 = arith.constant 0 : i32
      %ne3A_323 = vector.broadcast %ne3A_322 : i32 to vector<1x512xi32>
      %ne3A_324 = arith.cmpi ne, %rem3A_321, %ne3A_323 : vector<1x512xi32>
      %and3A_325 = arith.andi %ne3A_319, %ne3A_324 : vector<1x512xi1>
      %sub3A_326 = arith.constant 1 : i32
      %sub3A_327 = vector.broadcast %sub3A_326 : i32 to vector<1x512xi32>
      %sub3A_328 = arith.subi %div3A_301, %sub3A_327 : vector<1x512xi32>
      %select_n3A_329 = arith.select %and3A_325, %sub3A_328, %div3A_301 : vector<1x512xi1>, vector<1x512xi32>
      %eq3A_330 = arith.constant 4 : i32
      %eq3A_331 = vector.broadcast %eq3A_330 : i32 to vector<1x512xi32>
      %eq3A_332 = arith.cmpi eq, %select_n3A_329, %eq3A_331 : vector<1x512xi32>
      %mul3A_333 = arith.constant 64 : i32
      %mul3A_334 = arith.muli %reduce_min3A_298, %mul3A_333 : i32
      %jit3A_335 = arith.constant 0 : i32
      %broadcast_in_dim3A_336 = vector.broadcast %mul3A_334 : i32 to vector<1x512xi32>
      %broadcast_in_dim3A_337 = vector.broadcast %jit3A_335 : i32 to vector<1x512xi32>
      %select_n3A_338 = arith.select %eq3A_332, %broadcast_in_dim3A_336, %broadcast_in_dim3A_337 : vector<1x512xi1>, vector<1x512xi32>
      %add3A_339 = arith.addi %add3A_278, %select_n3A_338 : vector<1x512xi32>
      %eq3A_340 = vector.broadcast %reduce_min3A_298 : i32 to vector<1x128xi32>
      %eq3A_341 = arith.cmpi eq, %iota3A, %eq3A_340 : vector<1x128xi32>
      %jit3A_342 = arith.constant 0xFF800000 : f32
      %broadcast_in_dim3A_343 = vector.broadcast %jit3A_342 : f32 to vector<1x128xf32>
      %select_n3A_344 = arith.select %eq3A_341, %broadcast_in_dim3A_343, %select_n3A_283 : vector<1x128xi1>, vector<1x128xf32>
      %reduce_max3A_345 = vector.shape_cast %select_n3A_344 : vector<1x128xf32> to vector<1x1x128xf32>
      %reduce_max3A_346 = arith.constant dense<0xFF800000> : vector<1xf32>
      %reduce_max3A_347 = vector.multi_reduction <maximumf>, %reduce_max3A_345, %reduce_max3A_346 [1, 2] : vector<1x1x128xf32> to vector<1xf32>
      %reduce_max3A_348 = vector.shape_cast %reduce_max3A_347 : vector<1xf32> to vector<1x1x1xf32>
      %reduce_max3A_349 = vector.extract %reduce_max3A_348[0, 0, 0] : f32 from vector<1x1x1xf32>
      %eq3A_350 = vector.broadcast %reduce_max3A_349 : f32 to vector<1x128xf32>
      %eq3A_351 = arith.cmpf oeq, %select_n3A_344, %eq3A_350 : vector<1x128xf32>
      %jit3A_352 = arith.constant 128 : i32
      %broadcast_in_dim3A_353 = vector.broadcast %jit3A_352 : i32 to vector<1x128xi32>
      %select_n3A_354 = arith.select %eq3A_351, %iota3A, %broadcast_in_dim3A_353 : vector<1x128xi1>, vector<1x128xi32>
      %reduce_min3A_355 = vector.shape_cast %select_n3A_354 : vector<1x128xi32> to vector<1x1x128xi32>
      %reduce_min3A_356 = arith.constant dense<2147483647> : vector<1xi32>
      %reduce_min3A_357 = vector.multi_reduction <minsi>, %reduce_min3A_355, %reduce_min3A_356 [1, 2] : vector<1x1x128xi32> to vector<1xi32>
      %reduce_min3A_358 = vector.shape_cast %reduce_min3A_357 : vector<1xi32> to vector<1x1x1xi32>
      %reduce_min3A_359 = vector.extract %reduce_min3A_358[0, 0, 0] : i32 from vector<1x1x1xi32>
      %jit3A_360 = arith.constant 64 : i32
      %div3A_361 = vector.broadcast %jit3A_360 : i32 to vector<1x512xi32>
      %div3A_362 = arith.divsi %iota3A_30, %div3A_361 : vector<1x512xi32>
      %sign3A_363 = arith.constant 0 : i32
      %sign3A_364 = vector.broadcast %sign3A_363 : i32 to vector<1x512xi32>
      %sign3A_365 = arith.cmpi sgt, %iota3A_30, %sign3A_364 : vector<1x512xi32>
      %sign3A_366 = arith.extui %sign3A_365 : vector<1x512xi1> to vector<1x512xi32>
      %sign3A_367 = arith.constant 0 : i32
      %sign3A_368 = vector.broadcast %sign3A_367 : i32 to vector<1x512xi32>
      %sign3A_369 = arith.cmpi slt, %iota3A_30, %sign3A_368 : vector<1x512xi32>
      %sign3A_370 = arith.extui %sign3A_369 : vector<1x512xi1> to vector<1x512xi32>
      %sign3A_371 = arith.subi %sign3A_366, %sign3A_370 : vector<1x512xi32>
      %sign3A_372 = arith.constant 0 : i32
      %sign3A_373 = arith.cmpi sgt, %jit3A_360, %sign3A_372 : i32
      %sign3A_374 = arith.extui %sign3A_373 : i1 to i32
      %sign3A_375 = arith.constant 0 : i32
      %sign3A_376 = arith.cmpi slt, %jit3A_360, %sign3A_375 : i32
      %sign3A_377 = arith.extui %sign3A_376 : i1 to i32
      %sign3A_378 = arith.subi %sign3A_374, %sign3A_377 : i32
      %ne3A_379 = vector.broadcast %sign3A_378 : i32 to vector<1x512xi32>
      %ne3A_380 = arith.cmpi ne, %sign3A_371, %ne3A_379 : vector<1x512xi32>
      %rem3A_381 = vector.broadcast %jit3A_360 : i32 to vector<1x512xi32>
      %rem3A_382 = arith.remsi %iota3A_30, %rem3A_381 : vector<1x512xi32>
      %ne3A_383 = arith.constant 0 : i32
      %ne3A_384 = vector.broadcast %ne3A_383 : i32 to vector<1x512xi32>
      %ne3A_385 = arith.cmpi ne, %rem3A_382, %ne3A_384 : vector<1x512xi32>
      %and3A_386 = arith.andi %ne3A_380, %ne3A_385 : vector<1x512xi1>
      %sub3A_387 = arith.constant 1 : i32
      %sub3A_388 = vector.broadcast %sub3A_387 : i32 to vector<1x512xi32>
      %sub3A_389 = arith.subi %div3A_362, %sub3A_388 : vector<1x512xi32>
      %select_n3A_390 = arith.select %and3A_386, %sub3A_389, %div3A_362 : vector<1x512xi1>, vector<1x512xi32>
      %eq3A_391 = arith.constant 5 : i32
      %eq3A_392 = vector.broadcast %eq3A_391 : i32 to vector<1x512xi32>
      %eq3A_393 = arith.cmpi eq, %select_n3A_390, %eq3A_392 : vector<1x512xi32>
      %mul3A_394 = arith.constant 64 : i32
      %mul3A_395 = arith.muli %reduce_min3A_359, %mul3A_394 : i32
      %jit3A_396 = arith.constant 0 : i32
      %broadcast_in_dim3A_397 = vector.broadcast %mul3A_395 : i32 to vector<1x512xi32>
      %broadcast_in_dim3A_398 = vector.broadcast %jit3A_396 : i32 to vector<1x512xi32>
      %select_n3A_399 = arith.select %eq3A_393, %broadcast_in_dim3A_397, %broadcast_in_dim3A_398 : vector<1x512xi1>, vector<1x512xi32>
      %add3A_400 = arith.addi %add3A_339, %select_n3A_399 : vector<1x512xi32>
      %eq3A_401 = vector.broadcast %reduce_min3A_359 : i32 to vector<1x128xi32>
      %eq3A_402 = arith.cmpi eq, %iota3A, %eq3A_401 : vector<1x128xi32>
      %jit3A_403 = arith.constant 0xFF800000 : f32
      %broadcast_in_dim3A_404 = vector.broadcast %jit3A_403 : f32 to vector<1x128xf32>
      %select_n3A_405 = arith.select %eq3A_402, %broadcast_in_dim3A_404, %select_n3A_344 : vector<1x128xi1>, vector<1x128xf32>
      %reduce_max3A_406 = vector.shape_cast %select_n3A_405 : vector<1x128xf32> to vector<1x1x128xf32>
      %reduce_max3A_407 = arith.constant dense<0xFF800000> : vector<1xf32>
      %reduce_max3A_408 = vector.multi_reduction <maximumf>, %reduce_max3A_406, %reduce_max3A_407 [1, 2] : vector<1x1x128xf32> to vector<1xf32>
      %reduce_max3A_409 = vector.shape_cast %reduce_max3A_408 : vector<1xf32> to vector<1x1x1xf32>
      %reduce_max3A_410 = vector.extract %reduce_max3A_409[0, 0, 0] : f32 from vector<1x1x1xf32>
      %eq3A_411 = vector.broadcast %reduce_max3A_410 : f32 to vector<1x128xf32>
      %eq3A_412 = arith.cmpf oeq, %select_n3A_405, %eq3A_411 : vector<1x128xf32>
      %jit3A_413 = arith.constant 128 : i32
      %broadcast_in_dim3A_414 = vector.broadcast %jit3A_413 : i32 to vector<1x128xi32>
      %select_n3A_415 = arith.select %eq3A_412, %iota3A, %broadcast_in_dim3A_414 : vector<1x128xi1>, vector<1x128xi32>
      %reduce_min3A_416 = vector.shape_cast %select_n3A_415 : vector<1x128xi32> to vector<1x1x128xi32>
      %reduce_min3A_417 = arith.constant dense<2147483647> : vector<1xi32>
      %reduce_min3A_418 = vector.multi_reduction <minsi>, %reduce_min3A_416, %reduce_min3A_417 [1, 2] : vector<1x1x128xi32> to vector<1xi32>
      %reduce_min3A_419 = vector.shape_cast %reduce_min3A_418 : vector<1xi32> to vector<1x1x1xi32>
      %reduce_min3A_420 = vector.extract %reduce_min3A_419[0, 0, 0] : i32 from vector<1x1x1xi32>
      %jit3A_421 = arith.constant 64 : i32
      %div3A_422 = vector.broadcast %jit3A_421 : i32 to vector<1x512xi32>
      %div3A_423 = arith.divsi %iota3A_30, %div3A_422 : vector<1x512xi32>
      %sign3A_424 = arith.constant 0 : i32
      %sign3A_425 = vector.broadcast %sign3A_424 : i32 to vector<1x512xi32>
      %sign3A_426 = arith.cmpi sgt, %iota3A_30, %sign3A_425 : vector<1x512xi32>
      %sign3A_427 = arith.extui %sign3A_426 : vector<1x512xi1> to vector<1x512xi32>
      %sign3A_428 = arith.constant 0 : i32
      %sign3A_429 = vector.broadcast %sign3A_428 : i32 to vector<1x512xi32>
      %sign3A_430 = arith.cmpi slt, %iota3A_30, %sign3A_429 : vector<1x512xi32>
      %sign3A_431 = arith.extui %sign3A_430 : vector<1x512xi1> to vector<1x512xi32>
      %sign3A_432 = arith.subi %sign3A_427, %sign3A_431 : vector<1x512xi32>
      %sign3A_433 = arith.constant 0 : i32
      %sign3A_434 = arith.cmpi sgt, %jit3A_421, %sign3A_433 : i32
      %sign3A_435 = arith.extui %sign3A_434 : i1 to i32
      %sign3A_436 = arith.constant 0 : i32
      %sign3A_437 = arith.cmpi slt, %jit3A_421, %sign3A_436 : i32
      %sign3A_438 = arith.extui %sign3A_437 : i1 to i32
      %sign3A_439 = arith.subi %sign3A_435, %sign3A_438 : i32
      %ne3A_440 = vector.broadcast %sign3A_439 : i32 to vector<1x512xi32>
      %ne3A_441 = arith.cmpi ne, %sign3A_432, %ne3A_440 : vector<1x512xi32>
      %rem3A_442 = vector.broadcast %jit3A_421 : i32 to vector<1x512xi32>
      %rem3A_443 = arith.remsi %iota3A_30, %rem3A_442 : vector<1x512xi32>
      %ne3A_444 = arith.constant 0 : i32
      %ne3A_445 = vector.broadcast %ne3A_444 : i32 to vector<1x512xi32>
      %ne3A_446 = arith.cmpi ne, %rem3A_443, %ne3A_445 : vector<1x512xi32>
      %and3A_447 = arith.andi %ne3A_441, %ne3A_446 : vector<1x512xi1>
      %sub3A_448 = arith.constant 1 : i32
      %sub3A_449 = vector.broadcast %sub3A_448 : i32 to vector<1x512xi32>
      %sub3A_450 = arith.subi %div3A_423, %sub3A_449 : vector<1x512xi32>
      %select_n3A_451 = arith.select %and3A_447, %sub3A_450, %div3A_423 : vector<1x512xi1>, vector<1x512xi32>
      %eq3A_452 = arith.constant 6 : i32
      %eq3A_453 = vector.broadcast %eq3A_452 : i32 to vector<1x512xi32>
      %eq3A_454 = arith.cmpi eq, %select_n3A_451, %eq3A_453 : vector<1x512xi32>
      %mul3A_455 = arith.constant 64 : i32
      %mul3A_456 = arith.muli %reduce_min3A_420, %mul3A_455 : i32
      %jit3A_457 = arith.constant 0 : i32
      %broadcast_in_dim3A_458 = vector.broadcast %mul3A_456 : i32 to vector<1x512xi32>
      %broadcast_in_dim3A_459 = vector.broadcast %jit3A_457 : i32 to vector<1x512xi32>
      %select_n3A_460 = arith.select %eq3A_454, %broadcast_in_dim3A_458, %broadcast_in_dim3A_459 : vector<1x512xi1>, vector<1x512xi32>
      %add3A_461 = arith.addi %add3A_400, %select_n3A_460 : vector<1x512xi32>
      %eq3A_462 = vector.broadcast %reduce_min3A_420 : i32 to vector<1x128xi32>
      %eq3A_463 = arith.cmpi eq, %iota3A, %eq3A_462 : vector<1x128xi32>
      %jit3A_464 = arith.constant 0xFF800000 : f32
      %broadcast_in_dim3A_465 = vector.broadcast %jit3A_464 : f32 to vector<1x128xf32>
      %select_n3A_466 = arith.select %eq3A_463, %broadcast_in_dim3A_465, %select_n3A_405 : vector<1x128xi1>, vector<1x128xf32>
      %reduce_max3A_467 = vector.shape_cast %select_n3A_466 : vector<1x128xf32> to vector<1x1x128xf32>
      %reduce_max3A_468 = arith.constant dense<0xFF800000> : vector<1xf32>
      %reduce_max3A_469 = vector.multi_reduction <maximumf>, %reduce_max3A_467, %reduce_max3A_468 [1, 2] : vector<1x1x128xf32> to vector<1xf32>
      %reduce_max3A_470 = vector.shape_cast %reduce_max3A_469 : vector<1xf32> to vector<1x1x1xf32>
      %reduce_max3A_471 = vector.extract %reduce_max3A_470[0, 0, 0] : f32 from vector<1x1x1xf32>
      %eq3A_472 = vector.broadcast %reduce_max3A_471 : f32 to vector<1x128xf32>
      %eq3A_473 = arith.cmpf oeq, %select_n3A_466, %eq3A_472 : vector<1x128xf32>
      %jit3A_474 = arith.constant 128 : i32
      %broadcast_in_dim3A_475 = vector.broadcast %jit3A_474 : i32 to vector<1x128xi32>
      %select_n3A_476 = arith.select %eq3A_473, %iota3A, %broadcast_in_dim3A_475 : vector<1x128xi1>, vector<1x128xi32>
      %reduce_min3A_477 = vector.shape_cast %select_n3A_476 : vector<1x128xi32> to vector<1x1x128xi32>
      %reduce_min3A_478 = arith.constant dense<2147483647> : vector<1xi32>
      %reduce_min3A_479 = vector.multi_reduction <minsi>, %reduce_min3A_477, %reduce_min3A_478 [1, 2] : vector<1x1x128xi32> to vector<1xi32>
      %reduce_min3A_480 = vector.shape_cast %reduce_min3A_479 : vector<1xi32> to vector<1x1x1xi32>
      %reduce_min3A_481 = vector.extract %reduce_min3A_480[0, 0, 0] : i32 from vector<1x1x1xi32>
      %jit3A_482 = arith.constant 64 : i32
      %div3A_483 = vector.broadcast %jit3A_482 : i32 to vector<1x512xi32>
      %div3A_484 = arith.divsi %iota3A_30, %div3A_483 : vector<1x512xi32>
      %sign3A_485 = arith.constant 0 : i32
      %sign3A_486 = vector.broadcast %sign3A_485 : i32 to vector<1x512xi32>
      %sign3A_487 = arith.cmpi sgt, %iota3A_30, %sign3A_486 : vector<1x512xi32>
      %sign3A_488 = arith.extui %sign3A_487 : vector<1x512xi1> to vector<1x512xi32>
      %sign3A_489 = arith.constant 0 : i32
      %sign3A_490 = vector.broadcast %sign3A_489 : i32 to vector<1x512xi32>
      %sign3A_491 = arith.cmpi slt, %iota3A_30, %sign3A_490 : vector<1x512xi32>
      %sign3A_492 = arith.extui %sign3A_491 : vector<1x512xi1> to vector<1x512xi32>
      %sign3A_493 = arith.subi %sign3A_488, %sign3A_492 : vector<1x512xi32>
      %sign3A_494 = arith.constant 0 : i32
      %sign3A_495 = arith.cmpi sgt, %jit3A_482, %sign3A_494 : i32
      %sign3A_496 = arith.extui %sign3A_495 : i1 to i32
      %sign3A_497 = arith.constant 0 : i32
      %sign3A_498 = arith.cmpi slt, %jit3A_482, %sign3A_497 : i32
      %sign3A_499 = arith.extui %sign3A_498 : i1 to i32
      %sign3A_500 = arith.subi %sign3A_496, %sign3A_499 : i32
      %ne3A_501 = vector.broadcast %sign3A_500 : i32 to vector<1x512xi32>
      %ne3A_502 = arith.cmpi ne, %sign3A_493, %ne3A_501 : vector<1x512xi32>
      %rem3A_503 = vector.broadcast %jit3A_482 : i32 to vector<1x512xi32>
      %rem3A_504 = arith.remsi %iota3A_30, %rem3A_503 : vector<1x512xi32>
      %ne3A_505 = arith.constant 0 : i32
      %ne3A_506 = vector.broadcast %ne3A_505 : i32 to vector<1x512xi32>
      %ne3A_507 = arith.cmpi ne, %rem3A_504, %ne3A_506 : vector<1x512xi32>
      %and3A_508 = arith.andi %ne3A_502, %ne3A_507 : vector<1x512xi1>
      %sub3A_509 = arith.constant 1 : i32
      %sub3A_510 = vector.broadcast %sub3A_509 : i32 to vector<1x512xi32>
      %sub3A_511 = arith.subi %div3A_484, %sub3A_510 : vector<1x512xi32>
      %select_n3A_512 = arith.select %and3A_508, %sub3A_511, %div3A_484 : vector<1x512xi1>, vector<1x512xi32>
      %eq3A_513 = arith.constant 7 : i32
      %eq3A_514 = vector.broadcast %eq3A_513 : i32 to vector<1x512xi32>
      %eq3A_515 = arith.cmpi eq, %select_n3A_512, %eq3A_514 : vector<1x512xi32>
      %mul3A_516 = arith.constant 64 : i32
      %mul3A_517 = arith.muli %reduce_min3A_481, %mul3A_516 : i32
      %jit3A_518 = arith.constant 0 : i32
      %broadcast_in_dim3A_519 = vector.broadcast %mul3A_517 : i32 to vector<1x512xi32>
      %broadcast_in_dim3A_520 = vector.broadcast %jit3A_518 : i32 to vector<1x512xi32>
      %select_n3A_521 = arith.select %eq3A_515, %broadcast_in_dim3A_519, %broadcast_in_dim3A_520 : vector<1x512xi1>, vector<1x512xi32>
      %add3A_522 = arith.addi %add3A_461, %select_n3A_521 : vector<1x512xi32>
      %swap3A_523 = arith.constant 0 : index
      %swap3A_524 = arith.constant 0 : index
      %swap3A_525 = vector.load %arg7[%swap3A_523, %swap3A_524] : memref<1x512xi32, #tpu.memory_space<vmem>>, vector<1x512xi32>
      tpu.vector_store %arg7[%swap3A_523, %swap3A_524], %add3A_522 {strides = array<i32>} : memref<1x512xi32, #tpu.memory_space<vmem>>, vector<1x512xi32>,
    } else {
    }
    return
  }
  func.func @transform_0(%arg0: i32) -> (i32, i32) {
    %c0_i32 = arith.constant 0 : i32
    %c0_i32_0 = arith.constant 0 : i32
    %c0_i32_1 = arith.constant 0 : i32
    return %c0_i32, %c0_i32_0 : i32, i32
  }
  func.func @transform_1(%arg0: i32) -> (i32, i32) {
    %c0_i32 = arith.constant 0 : i32
    %c0_i32_0 = arith.constant 0 : i32
    %c0_i32_1 = arith.constant 0 : i32
    return %c0_i32, %c0_i32_0 : i32, i32
  }
  func.func @transform_2(%arg0: i32) -> (i32, i32) {
    %c0_i32 = arith.constant 0 : i32
    %c0_i32_0 = arith.constant 0 : i32
    %c0_i32_1 = arith.constant 0 : i32
    return %c0_i32, %c0_i32_0 : i32, i32
  }
  func.func @transform_3(%arg0: i32) -> (i32, i32) {
    %min3A = arith.constant 7 : i32
    %min3A_0 = arith.minsi %arg0, %min3A : i32
    %c0_i32 = arith.constant 0 : i32
    %c0_i32_1 = arith.constant 0 : i32
    return %min3A_0, %c0_i32 : i32, i32
  }
  func.func @transform_4(%arg0: i32) -> (i32, i32) {
    %c0_i32 = arith.constant 0 : i32
    %c0_i32_0 = arith.constant 0 : i32
    return %arg0, %c0_i32 : i32, i32
  }
  func.func @transform_5(%arg0: i32) -> (i32, i32) {
    %c0_i32 = arith.constant 0 : i32
    %c0_i32_0 = arith.constant 0 : i32
    %c0_i32_1 = arith.constant 0 : i32
    return %c0_i32, %c0_i32_0 : i32, i32
  }
  func.func @transform_6(%arg0: i32) -> (i32, i32) {
    %c0_i32 = arith.constant 0 : i32
    %c0_i32_0 = arith.constant 0 : i32
    %c0_i32_1 = arith.constant 0 : i32
    return %c0_i32, %c0_i32_0 : i32, i32
  }
}

</mosaic_0001>

<sc_bundles>
// kernel: kernel.6.cloned.1.call-start
scs
__scs_entry_jumppad:
0x0: {  	(pc) =	sbr.rel $0x88, $3  }
0x1: {  	(tag) =	ssettag $0x0;
	lr =	simm.s32 $0x1  }
0x2: {  	[smem:$0x3F9A] =	sst lr;
	_ =	strace $0xD0000000  }
0x3: {  	_ = 	snop  }
0x4: {  	_ = 	snop  }
0x5: {  	_ = 	snop  }
0x6: {  	_ = 	snop  }
0x7: {  	_ = 	snop  }
__scs_overlays_trampoline_lowered:
0x8: {  	[smem:$0x3FA9] =	sst s0  }
0x9: {  	[smem:$0x3FAA] =	sst s1  }
0xa: {  	[smem:$0x3FAB] =	sst s2  }
0xb: {  	[smem:$0x3FAC] =	sst s3  }
0xc: {  	[smem:$0x3FAD] =	sst s4  }
0xd: {  	[smem:$0x3FAE] =	sst s5  }
0xe: {  	[smem:$0x3FAF] =	sst s6  }
0xf: {  	[smem:$0x3FB0] =	sst s7  }
0x10: {  	[smem:$0x3FB1] =	sst s8  }
0x11: {  	[smem:$0x3FB2] =	sst s9;
	s0 =	simm.s32 @!p0 $0x0  }
0x12: {  	s1 =	sld [smem:$0x3F98];
	s0 =	simm.s32 @p0 $0x1  }
0x13: {  	[smem:$0x3FB3] =	sst s0;
	s0 =	simm.s32 @!p1 $0x0  }
0x14: {  	s2 =	sld [smem:$0x3F97];
	s0 =	simm.s32 @p1 $0x1  }
0x15: {  	[smem:$0x3FB4] =	sst s0;
	s0 =	simm.s32 @!p2 $0x0  }
0x16: {  	s3 =	sld [smem:$0x3FDB];
	s0 =	simm.s32 @p2 $0x1  }
0x17: {  	s4 =	simm.s32 $0x1BF5;
	[smem:$0x3FB6] =	sst s0  }
0x18: {  	s0 =	sld [smem:$0x3F99];
	_ =	swait.ge [sflag:s4], $0x0  }
0x19: {  	s7 =	sld [smem:$0x3F9A]  }
0x1a: {  	s8 =	sadd.s32 $0xFFFFE003, lr  }
0x1b: {  	s9 =	sadd.s32 $0xFFFFFEF7, lr;
	s5 =	simm.s32 $0xFFFFFFFF;
	p2 =	slt.u32 s8, $0xFFFFF086  }
0x1c: {  	p1 =	slt.u32 s9, $0xF7A;
	s5 =	simm.s32 @!p2 $0x0  }
0x1d: {  	s5 =	simm.s32 @p1 $0x1;
	p0 =	seq.s32 s7, s2  }
0x1e: {  	s7 =	smul.u32 @!p0 $0xF7A, s2;
	p2 =	seq.s32 @!p0 s5, $0x0  }
0x1f: {  	s9 =	smul.u32 $0xF7A, s1;
	s8 =	simm.s32 @!p0 $0x1BF5;
	p2 =	por !p2, p0  }
0x20: {  	[sflag:s8] =	ssyncset.s32 @!p0 $0xFFFFF086;
	s6 =	sadd.s32 @!p0 s3, s7;
	s7 =	simm.s32 @!p0 $0x108  }
0x21: {  	s3 =	sadd.s32 s3, s9;
	s6 =	sadd.s32 @!p0 $0x88, s6;
	s7 =	simm.s32 @p2 $0x1082  }
0x22: {  	[simem:s7], [sflag:s8] =	dma.local @!p0 [hbm:s6], $0xF7A  }
0x23: {  	s9 =	sor.u32 $0xD0000000, s2;
	s6 =	simm.s32 $0x108;
	_ =	swait.ge @!p0 [sflag:s8], $0x0  }
0x24: {  	s3 =	sadd.s32 $0x88, s3;
	s6 =	simm.s32 @!p1 $0x1082;
	[sflag:s4] =	ssyncset.s32 $0xFFFFF086  }
0x25: {  	[simem:s6], [sflag:s4] =	dma.local [hbm:s3], $0xF7A  }
0x26: {  	[smem:$0x3F9A] =	sst s1;
	(tag) =	ssettag s2;
	_ =	strace s9  }
0x27: {  	s1 =	sld [smem:$0x3FAA]  }
0x28: {  	s2 =	sld [smem:$0x3FAB]  }
0x29: {  	s4 =	sld [smem:$0x3FAD]  }
0x2a: {  	p0 =	seq.s32 s5, $0x0;
	s5 =	sld [smem:$0x3FAE]  }
0x2b: {  	s6 =	sld [smem:$0x3FAF]  }
0x2c: {  	s7 =	sld [smem:$0x3FB0]  }
0x2d: {  	s3 =	simm.s32 $0x108;
	s8 =	sld [smem:$0x3FB1]  }
0x2e: {  	s3 =	simm.s32 @!p0 $0x1082;
	s9 =	sld [smem:$0x3FB2]  }
0x2f: {  	lr =	sadd.s32 s0, s3;
	s0 =	sld [smem:$0x3FA9]  }
0x30: {  	s3 =	sld [smem:$0x3FAC]  }
0x31: {  	[smem:$0x3FB5] =	sst s10  }
0x32: {  	s10 =	sld [smem:$0x3FB3];
	_ =	sdelay $0x3  }
0x33: {  	p0 =	seq.s32 s10, $0x1;
	s10 =	sld [smem:$0x3FB5];
	_ =	sdelay $0x3  }
0x34: {  	[smem:$0x3FB5] =	sst s10  }
0x35: {  	s10 =	sld [smem:$0x3FB4];
	_ =	sdelay $0x3  }
0x36: {  	p1 =	seq.s32 s10, $0x1;
	s10 =	sld [smem:$0x3FB5];
	_ =	sdelay $0x3  }
0x37: {  	[smem:$0x3FB5] =	sst s10  }
0x38: {  	s10 =	sld [smem:$0x3FB6]  }
0x39: {  	_ = 	snop;
	(pc) =	sbr.ind lr, $3  }
0x3a: {  	_ = 	snop  }
0x3b: {  	_ = 	snop  }
0x3c: {  	p2 =	seq.s32 s10, $0x1;
	s10 =	sld [smem:$0x3FB5]  }
0x3d: {  	_ =	shalt  }
0x3e: {  	_ =	shalt  }
0x3f: {  	_ =	shalt  }
0x40: {  	_ =	shalt  }
0x41: {  	_ =	shalt  }
0x42: {  	_ =	shalt  }
0x43: {  	_ =	shalt  }
0x44: {  	_ =	shalt  }
0x45: {  	_ =	shalt  }
0x46: {  	_ =	shalt  }
0x47: {  	_ =	shalt  }
0x48: {  	_ =	shalt  }
0x49: {  	_ =	shalt  }
0x4a: {  	_ =	shalt  }
0x4b: {  	_ =	shalt  }
0x4c: {  	_ =	shalt  }
0x4d: {  	_ =	shalt  }
0x4e: {  	_ =	shalt  }
0x4f: {  	_ =	shalt  }
0x50: {  	_ =	shalt  }
0x51: {  	_ =	shalt  }
0x52: {  	_ =	shalt  }
0x53: {  	_ =	shalt  }
0x54: {  	_ =	shalt  }
0x55: {  	_ =	shalt  }
0x56: {  	_ =	shalt  }
0x57: {  	_ =	shalt  }
0x58: {  	_ =	shalt  }
0x59: {  	_ =	shalt  }
0x5a: {  	_ =	shalt  }
0x5b: {  	_ =	shalt  }
0x5c: {  	_ =	shalt  }
0x5d: {  	_ =	shalt  }
0x5e: {  	_ =	shalt  }
0x5f: {  	_ =	shalt  }
0x60: {  	_ =	shalt  }
0x61: {  	_ =	shalt  }
0x62: {  	_ =	shalt  }
0x63: {  	_ =	shalt  }
0x64: {  	_ =	shalt  }
0x65: {  	_ =	shalt  }
0x66: {  	_ =	shalt  }
0x67: {  	_ =	shalt  }
0x68: {  	_ =	shalt  }
0x69: {  	_ =	shalt  }
0x6a: {  	_ =	shalt  }
0x6b: {  	_ =	shalt  }
0x6c: {  	_ =	shalt  }
0x6d: {  	_ =	shalt  }
0x6e: {  	_ =	shalt  }
0x6f: {  	_ =	shalt  }
0x70: {  	_ =	shalt  }
0x71: {  	_ =	shalt  }
0x72: {  	_ =	shalt  }
0x73: {  	_ =	shalt  }
0x74: {  	_ =	shalt  }
0x75: {  	_ =	shalt  }
0x76: {  	_ =	shalt  }
0x77: {  	_ =	shalt  }
0x78: {  	_ =	shalt  }
0x79: {  	_ =	shalt  }
0x7a: {  	_ =	shalt  }
0x7b: {  	_ =	shalt  }
0x7c: {  	_ =	shalt  }
0x7d: {  	_ =	shalt  }
0x7e: {  	_ =	shalt  }
0x7f: {  	_ =	shalt  }
0x80: {  	_ =	shalt  }
0x81: {  	_ =	shalt  }
0x82: {  	_ =	shalt  }
0x83: {  	_ =	shalt  }
0x84: {  	_ =	shalt  }
0x85: {  	_ =	shalt  }
0x86: {  	_ =	shalt  }
0x87: {  	_ =	shalt  }
.Lfunc_end0:
.L_simem_size_0:
called_computation.2_lowered:
.L_overlay_start_0:
0x88: {  	s2 =	sld [smem:$0x3FD9]  }
0x89: {  	s3 =	sld [smem:$0x3FFE];
	_ =	sdelay $0x1  }
0x8a: {  	s1 =	srdreg.scid  }
0x8b: {  	s0 =	sand.u32 $0x1, s1  }
0x8c: {  	s17 =	sshll.u32 s0, $0xA;
	s2 =	sadd.s32 s3, s2  }
0x8d: {  	s2 =	sadd.s32 s2, s17  }
0x8e: {  	[smem:$0x3FC1] =	sst s2  }
0x8f: {  	_ = 	snop  }
0x90: {  	s2 =	sld [smem:$0x3FC8]  }
0x91: {  	s18 =	sld [smem:$0x3FC7];
	(tm) =	ssettm $0x1  }
0x92: {  	s4 =	sld [smem:$0x3FFB];
	_ =	sdelay $0x3  }
0x93: {  	_ =	strace s4  }
0x94: {  	s4 =	sld [smem:$0x3FFC];
	_ =	sdelay $0x3  }
0x95: {  	_ =	strace s4  }
0x96: {  	s4 =	sld [smem:$0x3FFD];
	_ =	sdelay $0x3  }
0x97: {  	_ =	strace s4  }
0x98: {  	_ =	strace $0x8FFFFFFF  }
0x99: {  	s19 =	sld [smem:$0x3FDB];
	_ =	sdelay $0x1  }
0x9a: {  	s5 =	simm.s32 $_scs_section_size  }
0x9b: {  	s6 =	simm.s32 $_size__tile_overlayer_lowered;
	s7 =	simm.s32 $_tile_overlayer_lowered  }
0x9c: {  	s22 =	simm.s32 $0x1BFF;
	s21 =	sshll.u32 s7, $0x1;
	s4 =	sadd.s32 s5, s19  }
0x9d: {  	s8 =	simm.s32 $0x0;
	s20 =	sshll.u32 s6, $0x1;
	s6 =	sadd.s32 s21, s4  }
0x9e: {  	[timem:s8], [sflag:s22] =	dma.local [hbm:s6], s20  }
0x9f: {  	_ =	swait.ge [sflag:s22], s20  }
0xa0: {  	s5 =	ssub.s32 $0x0, s20;
	[sflag:s22] =	ssyncset.done $0x0  }
0xa1: {  	[sflag:s22] =	ssyncadd.s32 s5;
	_ =	sdelay $0x1  }
0xa2: {  	s23 =	simm.s32 $0x1B8B  }
0xa3: {  	_ =	swait.ge [sflag:s23], $0x1  }
0xa4: {  	[sflag:s23] =	ssyncset.done $0x0  }
0xa5: {  	s25 =	simm.s32 $0x1B8E;
	s24 =	sld [smem:$0x3FFE];
	[sflag:s23] =	ssyncadd.s32 $0xFFFFFFFF  }
0xa6: {  	s26 =	simm.s32 $execute0_lowered;
	[smem:$0x3FD2] =	sst s25  }
0xa7: {  	s6 =	sshll.u32 s26, $0x1;
	_ =	strace $0x80000046;
	[dreg:$0x1] =	wrdreg $0xFFFFFFFF  }
0xa8: {  	s28 =	simm.s32 $_size_execute0_lowered;
	s4 =	sadd.s32 s4, s6;
	[dreg:$0x0] =	wrdreg $0x0  }
0xa9: {  	s6 =	sshll.u32 s28, $0x1;
	[dreg:$0x2] =	wrdreg s4  }
0xaa: {  	[dreg:$0x3] =	wrdreg s6  }
0xab: {  	[dreg:$0x4] =	wrdreg $0xC0  }
0xac: {  	_ =	task [dreg:s8], $0x5FFFF  }
0xad: {  	[dreg:$0x1] =	wrdreg $0xFFFFFFFF  }
0xae: {  	[dreg:$0x0] =	wrdreg $0x60  }
0xaf: {  	[dreg:$0x2] =	wrdreg s24  }
0xb0: {  	[dreg:$0x3] =	wrdreg s2  }
0xb1: {  	[dreg:$0x4] =	wrdreg s18  }
0xb2: {  	[dreg:$0x5] =	wrdreg $0xB  }
0xb3: {  	_ =	task.clear_ibuf [dreg:s8], $0x6FFFF;
	_ =	strace $0x90000046  }
0xb4: {  	s29 =	simm.s32 $0xB;
	_ =	strace $0x80000048  }
0xb5: {  	_ =	swait.ge [sflag:s29], $0x1  }
0xb6: {  	[sflag:s29] =	ssyncadd.s32 $0xFFFFFFFF  }
0xb7: {  	_ =	strace $0x90000048  }
0xb8: {  	_ =	sfence  }
0xb9: {  	s30 =	sld [smem:$0x0];
	_ =	sdelay $0x2  }
0xba: {  	s31 =	sshll.u32 s1, $0xD;
	s1 =	sshrl.u32 s1, $0x2  }
0xbb: {  	s3 =	sand.u32 $0x4000, s31;
	s1 =	sadd.s32 s1, s30  }
0xbc: {  	s0 =	sor.u32 s3, s0;
	s1 =	sshll.u32 s1, $0x11  }
0xbd: {  	s0 =	sor.u32 s1, s0  }
0xbe: {  	s0 =	sadd.s32 $0x8F2B, s0  }
0xbf: {  	[sflag:s0] =	ssyncadd.remote.s32 $0x1  }
0xc0: {  	_ =	sfence.sel $0xFFFF  }
0xc1: {  	[dreg:$0x0] =	wrdreg $0xFFFFFFFF;
	(pc) =	sbr.abs _section_cstart, $3  }
0xc2: {  	[dreg:$0x1] =	wrdreg $0xFFFFFFFF  }
0xc3: {  	_ =	task.clear_ibuf [dreg:s8], $0x2FFFF;
	_ =	strace $0x9FFFFFFF  }
0xc4: {  	(tm) =	ssettm $0x7FFFFFFF  }
0xc5: {  	_ =	shalt  }
tec
execute0_lowered:
.L_overlay_start_1:
0x0: {  	(tag) =	ssettag $0x1  }
0x1: {  	s0 =	rddreg [dreg:$0x0]  }
0x2: {  	s2 =	rddreg [dreg:$0x1]  }
0x3: {  	s3 =	rddreg [dreg:$0x2]  }
0x4: {  	s4 =	srdreg.scid;
	s1 =	stileid.u32  }
0x5: {  	s13 =	simm.s32 $0x3;
	s14 =	simm.s32 $0x80;
	s15 =	simm.s32 $0x880  }
0x6: {  	s16 =	simm.s32 $0x1080;
	s17 =	simm.s32 $0x1880;
	s18 =	simm.s32 $0x2080  }
0x7: {  	s19 =	simm.s32 $0x2880;
	s20 =	simm.s32 $0x3080;
	s21 =	simm.s32 $0x3880  }
0x8: {  	s22 =	simm.s32 $0x4080;
	s23 =	simm.s32 $0x4880;
	s24 =	simm.s32 $0x5080  }
0x9: {  	s25 =	simm.s32 $0x5880;
	s28 =	simm.s32 $0x6880;
	s29 =	simm.s32 $0x7080  }
0xa: {  	s30 =	simm.s32 $0x7880;
	s31 =	simm.s32 $0x1;
	s5 =	sand.u32 $0x1, s4  }
0xb: {  	s4 =	simm.s32 $0x0;
	s6 =	sshll.u32 s1, $0x5;
	s9 =	sadd.s32 $0x200, s3  }
0xc: {  	s10 =	sadd.s32 $0x300, s3;
	s7 =	sshll.u32 s5, $0x4;
	[smem:$0x7FF] =	sst s4  }
0xd: {  	s5 =	ssub.s32 $0x2, s5;
	s6 =	sor.u32 s7, s6;
	_ =	strace $0x80000047  }
0xe: {  	s8 =	sshrl.u32 s5, $0x1;
	s7 =	sshrl.u32 s6, $0x3;
	s6 =	sshll.u32 s6, $0x7  }
0xf: {  	s12 =	ssub.s32 s5, s8;
	s5 =	sadd.s32 $0x100, s2;
	s7 =	sadd.s32 s7, s0  }
0x10: {  	s8 =	sadd.s32 $0x100, s3;
	s0 =	sadd.s32 s6, s0;
	s26 =	sadd.s32 $0x102E00, s7  }
0x11: {  	v2 =	vlaneseq.u32;
	s6 =	sadd.s32 $0x200, s2;
	s11 =	sadd.s32 $0x103000, s0;
	[dreg:$0x4] =	wrdreg s26  }
0x12: {  	vm0 =	vmmov $0xffff;
	v1 =	vshrl.u32 v2, $0x3;
	s12 =	smax.u32 s12, $0x1;
	s7 =	sadd.s32 $0x300, s2;
	[dreg:$0x5] =	wrdreg s11  }
0x13: {  	v0 =	vand.u32 $0x7, v2;
	v2 =	vor.u32 $0x8, v2;
	v1 =	vmul.u32 $0x8, v1;
	s11 =	sadd.s32 $0x113000, s0;
	s26 =	simm.s32 $0x6080;
	s0 =	simm.s32 $0x2  }
.LBB2_1:
0x14: {  	s1 =	rddreg [dreg:$0x4]  }
0x15: {  	[tilespmem:s4], [sflag:$0x3] =	stream.linear.gather [hbm4b:s1+s4], $0x10, $0x38;
	[tilespmem:$0x8080] =	vst v63  }
0x16: {  	_ =	swait.ge [sflag:s13], $0x10  }
0x17: {  	[sflag:s13] =	ssyncset.done $0x0  }
0x18: {  	[sflag:s13] =	ssyncadd.s32 $0xFFFFFFF0  }
0x19: {  	v3 =	vld [tilespmem:$0x0];
	_ =	sdelay $0x4  }
0x1a: {  	v4 =	vshll.u32 v3, $0x3  }
0x1b: {  	v3 =	vand.u32 $0x7, v3;
	v4 =	vand.u32 $0xFFFFFFC0, v4  }
0x1c: {  	v3 =	vor.u32 v3, v4  }
0x1d: {  	v4 =	vperm.xlane v3, v0;
	_ =	sdelay $0x1  }
0x1e: {  	v4 =	vadd.s32 v1, v4;
	_ =	sdelay $0x4  }
0x1f: {  	[tilespmem:s14], [sflag:$0x1] =	stream.indirect_vreg.gather [hbm4b:s2+s4], $0x80, v4, vm0, $0xb8;
	[tilespmem:$0x8080] =	vst v63  }
0x20: {  	v3 =	vperm.xlane v3, v2  }
0x21: {  	[tilespmem:s15], [sflag:$0x1] =	stream.indirect_vreg.gather [hbm4b:s5+s4], $0x80, v4, vm0, $0xb8;
	[tilespmem:$0x8080] =	vst v63  }
0x22: {  	v3 =	vadd.s32 v1, v3  }
0x23: {  	[tilespmem:s16], [sflag:$0x1] =	stream.indirect_vreg.gather [hbm4b:s6+s4], $0x80, v4, vm0, $0xb8;
	[tilespmem:$0x8080] =	vst v63  }
0x24: {  	_ = 	snop  }
0x25: {  	[tilespmem:s17], [sflag:$0x1] =	stream.indirect_vreg.gather [hbm4b:s7+s4], $0x80, v4, vm0, $0xb8;
	[tilespmem:$0x8080] =	vst v63  }
0x26: {  	_ = 	snop  }
0x27: {  	[tilespmem:s18], [sflag:$0x1] =	stream.indirect_vreg.gather [hbm4b:s2+s4], $0x80, v3, vm0, $0xb8;
	[tilespmem:$0x8080] =	vst v63  }
0x28: {  	_ = 	snop  }
0x29: {  	[tilespmem:s19], [sflag:$0x1] =	stream.indirect_vreg.gather [hbm4b:s5+s4], $0x80, v3, vm0, $0xb8;
	[tilespmem:$0x8080] =	vst v63  }
0x2a: {  	_ = 	snop  }
0x2b: {  	[tilespmem:s20], [sflag:$0x1] =	stream.indirect_vreg.gather [hbm4b:s6+s4], $0x80, v3, vm0, $0xb8;
	[tilespmem:$0x8080] =	vst v63  }
0x2c: {  	_ = 	snop  }
0x2d: {  	[tilespmem:s21], [sflag:$0x1] =	stream.indirect_vreg.gather [hbm4b:s7+s4], $0x80, v3, vm0, $0xb8;
	[tilespmem:$0x8080] =	vst v63  }
0x2e: {  	v3 =	vld [tilespmem:$0x0];
	_ =	sdelay $0x4  }
0x2f: {  	v63 =	vshll.u32 v3, $0x3  }
0x30: {  	v3 =	vand.u32 $0x7, v3;
	v4 =	vand.u32 $0xFFFFFFC0, v63  }
0x31: {  	v3 =	vor.u32 v3, v4  }
0x32: {  	v4 =	vperm.xlane v3, v0;
	_ =	sdelay $0x1  }
0x33: {  	v4 =	vadd.s32 v1, v4;
	_ =	sdelay $0x4  }
0x34: {  	[tilespmem:s22], [sflag:$0x2] =	stream.indirect_vreg.gather [hbm4b:s3+s4], $0x80, v4, vm0, $0xb8;
	[tilespmem:$0x8080] =	vst v63  }
0x35: {  	v3 =	vperm.xlane v3, v2  }
0x36: {  	[tilespmem:s23], [sflag:$0x2] =	stream.indirect_vreg.gather [hbm4b:s8+s4], $0x80, v4, vm0, $0xb8;
	[tilespmem:$0x8080] =	vst v63  }
0x37: {  	v3 =	vadd.s32 v1, v3  }
0x38: {  	[tilespmem:s24], [sflag:$0x2] =	stream.indirect_vreg.gather [hbm4b:s9+s4], $0x80, v4, vm0, $0xb8;
	[tilespmem:$0x8080] =	vst v63  }
0x39: {  	_ = 	snop  }
0x3a: {  	[tilespmem:s25], [sflag:$0x2] =	stream.indirect_vreg.gather [hbm4b:s10+s4], $0x80, v4, vm0, $0xb8;
	[tilespmem:$0x8080] =	vst v63  }
0x3b: {  	_ = 	snop  }
0x3c: {  	[tilespmem:s26], [sflag:$0x2] =	stream.indirect_vreg.gather [hbm4b:s3+s4], $0x80, v3, vm0, $0xb8;
	[tilespmem:$0x8080] =	vst v63  }
0x3d: {  	_ = 	snop  }
0x3e: {  	[tilespmem:s28], [sflag:$0x2] =	stream.indirect_vreg.gather [hbm4b:s8+s4], $0x80, v3, vm0, $0xb8;
	[tilespmem:$0x8080] =	vst v63  }
0x3f: {  	_ = 	snop  }
0x40: {  	[tilespmem:s29], [sflag:$0x2] =	stream.indirect_vreg.gather [hbm4b:s9+s4], $0x80, v3, vm0, $0xb8;
	[tilespmem:$0x8080] =	vst v63  }
0x41: {  	_ = 	snop  }
0x42: {  	[tilespmem:s30], [sflag:$0x2] =	stream.indirect_vreg.gather [hbm4b:s10+s4], $0x80, v3, vm0, $0xb8;
	[tilespmem:$0x8080] =	vst v63  }
0x43: {  	_ =	swait.ge [sflag:s31], $0x4000  }
0x44: {  	[sflag:s31] =	ssyncset.done $0x0  }
0x45: {  	[sflag:s31] =	ssyncadd.s32 $0xFFFFC000  }
0x46: {  	_ =	swait.ge [sflag:s0], $0x4000  }
0x47: {  	[sflag:s0] =	ssyncset.done $0x0  }
0x48: {  	s1 =	rddreg [dreg:$0x5];
	[sflag:s0] =	ssyncadd.s32 $0xFFFFC000  }
0x49: {  	[hbm4b:s1+s4] =	stream.linear.scatter [tilespmem:s14], [sflag:$0x3], $0x4000, $0x38;
	[tilespmem:$0x8080] =	vst v63  }
0x4a: {  	_ =	swait.ge [sflag:s13], $0x4000  }
0x4b: {  	p0 =	sne.s32 s12, $0x1;
	[sflag:s13] =	ssyncset.done $0x0  }
.Ltmp0:
0x4c: {  	[sflag:s13] =	ssyncadd.s32 $0xFFFFC000;
	(pc) =	sbr.rel @p0 .LBB2_1-.Ltmp0, $4  }
0x4d: {  	[hbm4b:s11+s4] =	stream.linear.scatter [tilespmem:s22], [sflag:$0x3], $0x4000, $0x38;
	[tilespmem:$0x8080] =	vst v63  }
0x4e: {  	_ =	swait.ge [sflag:s13], $0x4000  }
0x4f: {  	[sflag:s13] =	ssyncset.done $0x0  }
0x50: {  	s12 =	sadd.s32 $0xFFFFFFFF, s12;
	[sflag:s13] =	ssyncadd.s32 $0xFFFFC000  }
0x51: {  	_ =	sfence.sel $0x180000  }
0x52: {  	[bflag:$0x0] =	sbarrier.arrive $0xFFFF  }
0x53: {  	_ =	strace $0x90000047  }
0x54: {  	s0 =	stileid.u32;
	[bflag:$0x2] =	sbarrier.arrive $0xFFFF  }
0x55: {  	p0 =	sne.s32 s0, $0x0;
	s0 =	rddreg [dreg:$0x3]  }
0x56: {  	s0 =	sadd.s32 @!p0 $0x100000, s0  }
0x57: {  	[sflag:s0] =	ssyncadd.tile.s32 @!p0 $0x1;
	_ =	shalt  }
.Lfunc_end2:
_tile_overlayer_lowered:
.L_overlay_start_2:
0x58: {  	(tag) =	ssettag $0x2  }
0x59: {  	s0 =	rddreg [dreg:$0x0];
	s2 =	stileid.u32  }
0x5a: {  	s1 =	rddreg [dreg:$0x1];
	p0 =	sne.s32 s2, $0x0  }
0x5b: {  	s3 =	rddreg [dreg:$0x2];
	[bflag:$0x3] =	sbarrier.arrive $0xFFFF;
	s2 =	simm.s32 @!p0 $0x1C03  }
0x5c: {  	[timem:s3], [sflag:s2] =	dma.local @!p0 [hbm:s0], s1  }
0x5d: {  	s0 =	simm.s32 @!p0 $0x3  }
0x5e: {  	_ =	swait.ge @!p0 [sflag:s0], s1  }
0x5f: {  	s1 =	ssub.s32 @!p0 $0x0, s1;
	[sflag:s0] =	ssyncset.done @!p0 $0x0  }
0x60: {  	[sflag:s0] =	ssyncadd.s32 @!p0 s1  }
0x61: {  	[bflag:$0x3] =	sbarrier.arrive $0xFFFF  }
0x62: {  	_ =	shalt  }

// kernel: sparse-core-data-format-call.1.cloned.1.call-start
scs
called_computation.1_lowered:
.L_overlay_start_0:
0x0: {  	s2 =	sld [smem:$0x3FD9]  }
0x1: {  	s3 =	sld [smem:$0x3FFE];
	_ =	sdelay $0x1  }
0x2: {  	s1 =	srdreg.scid  }
0x3: {  	s0 =	sand.u32 $0x1, s1  }
0x4: {  	s16 =	sshll.u32 s0, $0xA;
	s2 =	sadd.s32 s3, s2  }
0x5: {  	s2 =	sadd.s32 s2, s16  }
0x6: {  	[smem:$0x3FC1] =	sst s2  }
0x7: {  	_ = 	snop  }
0x8: {  	s2 =	sld [smem:$0x3FD0];
	_ =	sdelay $0x2  }
0x9: {  	s17 =	simm.s32 $0xC;
	s4 =	simm.s32 $0x10  }
0xa: {  	[smem:s4], [sflag:s17] =	dma.local [hbm:s2], $0x1  }
0xb: {  	_ =	swait.eq [sflag:s17], $0x1  }
0xc: {  	[sflag:s17] =	ssyncset.done $0x0  }
0xd: {  	[sflag:s17] =	ssyncadd.s32 $0xFFFFFFFF  }
0xe: {  	s18 =	sld [smem:$0x11];
	(tm) =	ssettm $0x1  }
0xf: {  	s19 =	sld [smem:$0x3FFB];
	_ =	sdelay $0x3  }
0x10: {  	_ =	strace s19  }
0x11: {  	s2 =	sld [smem:$0x3FFC];
	_ =	sdelay $0x3  }
0x12: {  	_ =	strace s2  }
0x13: {  	s2 =	sld [smem:$0x3FFD];
	_ =	sdelay $0x3  }
0x14: {  	_ =	strace s2  }
0x15: {  	_ =	strace $0x8FFFFFFF  }
0x16: {  	s20 =	sld [smem:$0x3FDB];
	_ =	sdelay $0x1  }
0x17: {  	s21 =	simm.s32 $_scs_section_size  }
0x18: {  	s5 =	simm.s32 $_size__tile_overlayer_lowered;
	s6 =	simm.s32 $_tile_overlayer_lowered  }
0x19: {  	s7 =	simm.s32 $0x1BFF;
	s22 =	sshll.u32 s6, $0x1;
	s4 =	sadd.s32 s21, s20  }
0x1a: {  	s23 =	simm.s32 $0x0;
	s5 =	sshll.u32 s5, $0x1;
	s6 =	sadd.s32 s22, s4  }
0x1b: {  	[timem:s23], [sflag:s7] =	dma.local [hbm:s6], s5  }
0x1c: {  	_ =	swait.ge [sflag:s7], s5  }
0x1d: {  	s5 =	ssub.s32 $0x0, s5;
	[sflag:s7] =	ssyncset.done $0x0  }
0x1e: {  	[sflag:s7] =	ssyncadd.s32 s5;
	_ =	sdelay $0x1  }
0x1f: {  	s24 =	simm.s32 $0x1B8B  }
0x20: {  	_ =	swait.ge [sflag:s24], $0x1  }
0x21: {  	[sflag:s24] =	ssyncset.done $0x0  }
0x22: {  	[sflag:s24] =	ssyncadd.s32 $0xFFFFFFFF  }
0x23: {  	s5 =	sld [smem:$0x0]  }
0x24: {  	s6 =	sand.u32 $0xFFFFFFFE, s1  }
0x25: {  	p0 =	sne.s32 s1, s6  }
0x26: {  	s6 =	sshll.u32 @p0 s6, $0xE  }
0x27: {  	s6 =	sadd.s32 @p0 $0x11B8D, s6;
	s7 =	sshll.u32 @p0 s5, $0x11  }
0x28: {  	s6 =	sor.u32 @p0 s7, s6  }
0x29: {  	[sflag:s6] =	ssyncadd.remote.s32 @p0 $0x1;
	_ =	sdelay $0x1  }
0x2a: {  	s6 =	simm.s32 @p0 $0x1B8D  }
0x2b: {  	_ =	swait.eq @p0 [sflag:s6], $0x1  }
0x2c: {  	[sflag:s6] =	ssyncadd.s32 @p0 $0xFFFFFFFF  }
0x2d: {  	s7 =	sshll.u32 @!p0 s1, $0xE  }
0x2e: {  	s7 =	sor.u32 @!p0 $0x4000, s7;
	s6 =	simm.s32 @!p0 $0x1B8D  }
0x2f: {  	s5 =	sshll.u32 @!p0 s5, $0x11;
	s7 =	sadd.s32 @!p0 $0x11B8D, s7;
	_ =	swait.eq @!p0 [sflag:s6], $0x1  }
0x30: {  	s5 =	sor.u32 @!p0 s5, s7;
	[sflag:s6] =	ssyncadd.s32 @!p0 $0xFFFFFFFF  }
0x31: {  	s26 =	simm.s32 $0x1B8E;
	s25 =	sld [smem:$0x3FFE];
	[sflag:s5] =	ssyncadd.remote.s32 @!p0 $0x1  }
0x32: {  	s27 =	simm.s32 $execute0_lowered;
	[smem:$0x3FD2] =	sst s26  }
0x33: {  	s6 =	sshll.u32 s27, $0x1;
	_ =	strace $0x80000049;
	[dreg:$0x1] =	wrdreg $0xFFFFFFFF  }
0x34: {  	s28 =	simm.s32 $_size_execute0_lowered;
	s4 =	sadd.s32 s4, s6;
	[dreg:$0x0] =	wrdreg $0x0  }
0x35: {  	s6 =	sshll.u32 s28, $0x1;
	[dreg:$0x2] =	wrdreg s4  }
0x36: {  	[dreg:$0x3] =	wrdreg s6  }
0x37: {  	[dreg:$0x4] =	wrdreg $0xC0  }
0x38: {  	_ =	task [dreg:s23], $0x5FFFF  }
0x39: {  	[dreg:$0x1] =	wrdreg $0xFFFFFFFF  }
0x3a: {  	[dreg:$0x0] =	wrdreg $0x60  }
0x3b: {  	[dreg:$0x2] =	wrdreg s25  }
0x3c: {  	[dreg:$0x3] =	wrdreg s18  }
0x3d: {  	[dreg:$0x4] =	wrdreg $0xA  }
0x3e: {  	_ =	task.clear_ibuf [dreg:s23], $0x5FFFF;
	_ =	strace $0x90000049  }
0x3f: {  	s29 =	simm.s32 $0xA;
	_ =	strace $0x8000004B  }
0x40: {  	_ =	swait.ge [sflag:s29], $0x1  }
0x41: {  	[sflag:s29] =	ssyncadd.s32 $0xFFFFFFFF  }
0x42: {  	_ =	strace $0x9000004B  }
0x43: {  	_ =	sfence  }
0x44: {  	s30 =	sld [smem:$0x0];
	_ =	sdelay $0x2  }
0x45: {  	s31 =	sshll.u32 s1, $0xD;
	s1 =	sshrl.u32 s1, $0x2  }
0x46: {  	s4 =	sand.u32 $0x4000, s31;
	s1 =	sadd.s32 s1, s30  }
0x47: {  	s0 =	sor.u32 s4, s0;
	s1 =	sshll.u32 s1, $0x11  }
0x48: {  	s0 =	sor.u32 s1, s0  }
0x49: {  	s0 =	sadd.s32 $0x8F2B, s0  }
0x4a: {  	[sflag:s0] =	ssyncadd.remote.s32 $0x1  }
0x4b: {  	_ =	sfence.sel $0xFFFF  }
0x4c: {  	[dreg:$0x0] =	wrdreg $0xFFFFFFFF;
	(pc) =	sbr.abs _section_cstart, $3  }
0x4d: {  	[dreg:$0x1] =	wrdreg $0xFFFFFFFF  }
0x4e: {  	_ =	task.clear_ibuf [dreg:s23], $0x2FFFF;
	_ =	strace $0x9FFFFFFF  }
0x4f: {  	(tm) =	ssettm $0x7FFFFFFF  }
tec
execute0_lowered:
.L_overlay_start_1:
0x0: {  	(tag) =	ssettag $0x1  }
0x1: {  	s4 =	rddreg [dreg:$0x0]  }
0x2: {  	s0 =	srdreg.scid;
	s2 =	rddreg [dreg:$0x1]  }
0x3: {  	s1 =	stileid.u32;
	s5 =	simm.s32 $0x1;
	s0 =	sshll.u32 s0, $0x4  }
0x4: {  	s7 =	simm.s32 $0x2;
	s8 =	simm.s32 $0x0;
	s3 =	sand.u32 $0x10, s0  }
.Ltmp0:
0x5: {  	s12 =	simm.s32 $0x0;
	s3 =	sor.u32 s1, s3;
	(pc) =	sbr.rel .LBB1_1-.Ltmp0, $4  }
0x6: {  	s10 =	simm.s32 $0x0;
	s11 =	simm.s32 $0x0;
	s3 =	sshll.u32 s3, $0x4  }
0x7: {  	s0 =	rddreg [dreg:$0x2];
	_ =	strace $0x8000004A;
	s6 =	ssub.s32 $0x2000, s3  }
0x8: {  	s4 =	sadd.s32 $0x2A00, s4;
	[sflag:s5] =	ssyncpa.u1 $0x0;
	s6 =	sshrl.u32 s6, $0x9  }
0x9: {  	[sflag:s7] =	ssyncpa.u1 $0x0;
	s9 =	smov.u32 s3;
	s7 =	sadd.s32 $0x2, s6  }
.LBB1_7:
0xa: {  	p0 =	sgt.s32 s10, $0x1FF1;
	s15 =	smov.u32 s10  }
0xb: {  	s15 =	simm.s32 @!p0 $0x1FF1  }
0xc: {  	s13 =	sadd.s32 s13, s15  }
0xd: {  	s13 =	sadd.s32 $0xFFFFE00F, s13  }
0xe: {  	s30 =	sshll.u32 s13, $0xA  }
0xf: {  	s15 =	ssub.s32 $0x4000, s30  }
0x10: {  	s31 =	sshll.u32 s10, $0x7;
	p0 =	sgt.s32 s13, $0xF;
	s13 =	sand.u32 $0x3FFFFC00, s15  }
0x11: {  	s15 =	sadd.s32 s2, s31;
	s13 =	simm.s32 @p0 $0x0  }
0x12: {  	[hbm4b:s15+s8] =	stream.linear.scatter [tilespmem:s14], [sflag:$0x2], s13, $0x38;
	[tilespmem:$0x10000] =	vst v63  }
.LBB1_8:
0x13: {  	p0 =	slt.u32 s11, $0x2  }
0x14: {  	p1 =	sgt.s32 @!p0 s12, $0x1FF1  }
0x15: {  	s13 =	smov.u32 s12;
	s14 =	sshra.s32 @!p0 s12, $0x1F;
	p1 =	por !p1, p0  }
0x16: {  	s12 =	sand.u32 @!p0 s14, s12;
	s13 =	simm.s32 @p1 $0x1FF1  }
0x17: {  	s12 =	ssub.s32 @!p0 s13, s12  }
0x18: {  	s12 =	sadd.s32 @!p0 $0xFFFFE00F, s12  }
0x19: {  	s13 =	sshll.u32 @!p0 s12, $0xA  }
0x1a: {  	p1 =	sgt.s32 @!p0 s12, $0xF;
	s12 =	ssub.s32 @!p0 $0x4000, s13  }
0x1b: {  	s14 =	sadd.s32 $0x200, s9;
	p1 =	por !p1, p0;
	s12 =	sand.u32 @!p0 $0x3FFFFC00, s12  }
0x1c: {  	s12 =	simm.s32 @!p1 $0x0;
	p1 =	sgt.s32 s14, $0x2000  }
0x1d: {  	s14 =	smov.u32 @p1 s3;
	p1 =	sne.s32 s11, s7  }
.Ltmp1:
0x1e: {  	_ = 	snop;
	(pc) =	sbr.rel @!p1 .LBB1_9-.Ltmp1, $4  }
0x1f: {  	s13 =	simm.s32 @!p0 $0x2  }
0x20: {  	_ =	swait.ge @!p0 [sflag:s13], s12;
	s15 =	ssub.s32 @!p0 $0x0, s12  }
0x21: {  	s12 =	smov.u32 s10;
	s11 =	sadd.s32 $0x1, s11;
	[sflag:s13] =	ssyncset.done @!p0 $0x0  }
0x22: {  	s10 =	smov.u32 s9;
	s9 =	smov.u32 s14;
	[sflag:s13] =	ssyncadd.s32 @!p0 s15  }
.LBB1_1:
0x23: {  	p0 =	sgt.u32 s11, s6  }
0x24: {  	s15 =	smov.u32 s9;
	s13 =	sand.u32 @!p0 $0x3FFFF8, s9;
	p1 =	sgt.s32 @!p0 s9, $0x1FF8  }
0x25: {  	s16 =	sshra.s32 @!p0 s9, $0x1F;
	s14 =	smulhi.u32 @!p0 $0xFFC01, s13;
	p1 =	por !p1, p0  }
0x26: {  	s16 =	sand.u32 @!p0 s16, s9;
	s15 =	simm.s32 @p1 $0x1FF8  }
0x27: {  	s14 =	sshrl.u32 @!p0 s14, $0x1;
	s15 =	ssub.s32 @!p0 s15, s16;
	s16 =	sxor.u32 @!p0 $0xFFFFFFFF, s11  }
0x28: {  	s14 =	smul.u32 @!p0 $0x2008, s14;
	s15 =	sadd.s32 @!p0 $0xFFFFE008, s15;
	s16 =	sshll.u32 @!p0 s16, $0xE  }
0x29: {  	p1 =	sgt.s32 @!p0 s15, $0xF;
	s16 =	sand.u32 @!p0 $0x4000, s16  }
0x2a: {  	s13 =	ssub.s32 @!p0 s13, s14;
	s14 =	sshll.u32 @!p0 s15, $0xA;
	s15 =	sshll.u32 @!p0 s9, $0x4  }
0x2b: {  	p1 =	por !p1, p0;
	s14 =	ssub.s32 @!p0 $0x4000, s14;
	s15 =	sand.u32 @!p0 $0x70, s15  }
0x2c: {  	s13 =	sshll.u32 @!p0 s13, $0x7;
	s14 =	sand.u32 @!p0 $0x3FFFFC00, s14;
	s15 =	sadd.s32 @!p0 s4, s15  }
0x2d: {  	s14 =	simm.s32 @!p1 $0x0;
	s13 =	sadd.s32 @!p0 s13, s15;
	s15 =	simm.s32 @!p0 $0x0  }
0x2e: {  	[tilespmem:s16], [sflag:$0x1] =	stream.linear.gather @!p0 [hbm4b:s13+s15], s14, $0x38;
	[tilespmem:$0x10000] =	vst v63  }
0x2f: {  	p0 =	seq.s32 s11, $0x0  }
0x30: {  	p1 =	sge.u32 @!p0 s11, s7  }
0x31: {  	p0 =	por p0, p1  }
.Ltmp2:
0x32: {  	_ = 	snop;
	(pc) =	sbr.rel @p0 .LBB1_8-.Ltmp2, $1  }
0x33: {  	_ =	sdelay $0x3  }
0x34: {  	s13 =	ssub.s32 $0x0, s10  }
0x35: {  	s14 =	sshra.s32 s10, $0x1F;
	p0 =	sgt.s32 s10, $0x1FF8;
	s15 =	smov.u32 s10  }
0x36: {  	s13 =	sand.u32 s13, s14;
	s15 =	simm.s32 @!p0 $0x1FF8  }
0x37: {  	s14 =	sadd.s32 s13, s15  }
0x38: {  	s14 =	sadd.s32 $0xFFFFE008, s14  }
0x39: {  	s30 =	sshll.u32 s14, $0xA  }
0x3a: {  	s15 =	ssub.s32 $0x4000, s30  }
0x3b: {  	p0 =	sgt.s32 s14, $0xF;
	s14 =	sand.u32 $0x3FFFFC00, s15;
	s15 =	sadd.s32 $0x10, s10  }
0x3c: {  	s14 =	simm.s32 @p0 $0x0;
	p0 =	slt.s32 s15, $0x2001  }
0x3d: {  	s15 =	simm.s32 @!p0 $0x2001  }
0x3e: {  	s15 =	ssub.s32 s15, s10  }
0x3f: {  	p0 =	slt.s32 s15, $0x1  }
.Ltmp3:
0x40: {  	_ = 	snop;
	(pc) =	sbr.rel @p0 .LBB1_7-.Ltmp3, $4  }
0x41: {  	_ = 	snop  }
0x42: {  	s31 =	sshll.u32 s11, $0xE;
	_ =	swait.ge [sflag:s5], s14  }
0x43: {  	s16 =	sand.u32 $0x4000, s31;
	s17 =	ssub.s32 $0x0, s14;
	[sflag:s5] =	ssyncset.done $0x0  }
0x44: {  	s14 =	sor.u32 $0x8000, s16;
	[sflag:s5] =	ssyncadd.s32 s17  }
0x45: {  	s17 =	simm.s32 $0x0  }
.LBB1_4:
0x46: {  	s18 =	sshll.u32 s17, $0xA  }
0x47: {  	s20 =	sshll.u32 s17, $0x7;
	s19 =	sand.u32 $0x2000, s18  }
0x48: {  	s20 =	sand.u32 $0x380, s20;
	s19 =	sadd.s32 s19, s16  }
0x49: {  	s19 =	sadd.s32 s20, s19  }
0x4a: {  	v0 =	vmov s19  }
0x4b: {  	s18 =	sadd.s32 s18, s14  }
0x4c: {  	p0 =	por $0x1, $0x1;
	v1 =	vmov s18;
	s18 =	simm.s32 $0x0  }
.LBB1_5:
0x4d: {  	s19 =	sshll.u32 s18, $0x3  }
0x4e: {  	s19 =	sand.u32 $0x3FFFFFF8, s19  }
0x4f: {  	v2 =	vld.idx.msk [tilespmem:v0+s19+$0x0 ss:$0x1], $0xffff  }
0x50: {  	v3 =	vld.idx.msk [tilespmem:v0+s19+$0x10 ss:$0x1], $0xffff  }
0x51: {  	v4 =	vld.idx.msk [tilespmem:v0+s19+$0x20 ss:$0x1], $0xffff  }
0x52: {  	s20 =	sshrl.u32 s18, $0x7;
	v5 =	vld.idx.msk [tilespmem:v0+s19+$0x30 ss:$0x1], $0xffff  }
0x53: {  	s21 =	sor.u32 $0x1, s20;
	v6 =	vld.idx.msk [tilespmem:v0+s19+$0x40 ss:$0x1], $0xffff  }
0x54: {  	s22 =	sshll.u32 s21, $0xA;
	v49 =	vld.idx.msk [tilespmem:v0+s19+$0x70 ss:$0x1], $0xffff;
	[tilespmem:v1+s18+$0x0 ss:$0x1] =	vst.idx.msk $0xffff, v2  }
0x55: {  	s23 =	sand.u32 $0x3FFFFC00, s22;
	v2 =	vld.idx.msk [tilespmem:v0+s19+$0x50 ss:$0x1], $0xffff;
	[tilespmem:v1+s18+$0x10 ss:$0x1] =	vst.idx.msk $0xffff, v3  }
0x56: {  	v50 =	vld.idx.msk [tilespmem:v0+s23+$0x0 ss:$0x1], $0xffff;
	[tilespmem:v1+s18+$0x20 ss:$0x1] =	vst.idx.msk $0xffff, v4  }
0x57: {  	v51 =	vld.idx.msk [tilespmem:v0+s23+$0x10 ss:$0x1], $0xffff;
	[tilespmem:v1+s18+$0x30 ss:$0x1] =	vst.idx.msk $0xffff, v5  }
0x58: {  	v52 =	vld.idx.msk [tilespmem:v0+s23+$0x40 ss:$0x1], $0xffff;
	[tilespmem:v1+s18+$0x40 ss:$0x1] =	vst.idx.msk $0xffff, v6  }
0x59: {  	s21 =	sshll.u32 s21, $0x7;
	v3 =	vld.idx.msk [tilespmem:v0+s19+$0x60 ss:$0x1], $0xffff;
	[tilespmem:v1+s18+$0x70 ss:$0x1] =	vst.idx.msk $0xffff, v49  }
0x5a: {  	s24 =	sand.u32 $0x3FFFFF80, s21;
	[tilespmem:v1+s18+$0x50 ss:$0x1] =	vst.idx.msk $0xffff, v2;
	v2 =	vld.idx.msk [tilespmem:v0+s23+$0x20 ss:$0x1], $0xffff  }
0x5b: {  	v53 =	vld.idx.msk [tilespmem:v0+s23+$0x50 ss:$0x1], $0xffff;
	[tilespmem:v1+s24+$0x0 ss:$0x1] =	vst.idx.msk $0xffff, v50  }
0x5c: {  	s25 =	sor.u32 $0x2, s20;
	v54 =	vld.idx.msk [tilespmem:v0+s23+$0x60 ss:$0x1], $0xffff;
	[tilespmem:v1+s24+$0x10 ss:$0x1] =	vst.idx.msk $0xffff, v51  }
0x5d: {  	s26 =	sshll.u32 s25, $0xA;
	v7 =	vld.idx.msk [tilespmem:v0+s23+$0x70 ss:$0x1], $0xffff;
	[tilespmem:v1+s24+$0x40 ss:$0x1] =	vst.idx.msk $0xffff, v52  }
0x5e: {  	s27 =	sand.u32 $0x3FFFFC00, s26;
	[tilespmem:v1+s18+$0x60 ss:$0x1] =	vst.idx.msk $0xffff, v3;
	v3 =	vld.idx.msk [tilespmem:v0+s23+$0x30 ss:$0x1], $0xffff  }
0x5f: {  	[tilespmem:v1+s24+$0x20 ss:$0x1] =	vst.idx.msk $0xffff, v2;
	v2 =	vld.idx.msk [tilespmem:v0+s27+$0x0 ss:$0x1], $0xffff  }
0x60: {  	v55 =	vld.idx.msk [tilespmem:v0+s27+$0x20 ss:$0x1], $0xffff;
	[tilespmem:v1+s24+$0x50 ss:$0x1] =	vst.idx.msk $0xffff, v53  }
0x61: {  	v56 =	vld.idx.msk [tilespmem:v0+s27+$0x30 ss:$0x1], $0xffff;
	[tilespmem:v1+s24+$0x60 ss:$0x1] =	vst.idx.msk $0xffff, v54  }
0x62: {  	s21 =	sshll.u32 s25, $0x7;
	v57 =	vld.idx.msk [tilespmem:v0+s27+$0x40 ss:$0x1], $0xffff;
	[tilespmem:v1+s24+$0x70 ss:$0x1] =	vst.idx.msk $0xffff, v7  }
0x63: {  	s20 =	sor.u32 $0x3, s20;
	s28 =	sand.u32 $0x3FFFFF80, s21;
	[tilespmem:v1+s24+$0x30 ss:$0x1] =	vst.idx.msk $0xffff, v3;
	v3 =	vld.idx.msk [tilespmem:v0+s27+$0x10 ss:$0x1], $0xffff  }
0x64: {  	s29 =	sshll.u32 s20, $0xA;
	[tilespmem:v1+s28+$0x0 ss:$0x1] =	vst.idx.msk $0xffff, v2;
	v2 =	vld.idx.msk [tilespmem:v0+s27+$0x50 ss:$0x1], $0xffff  }
0x65: {  	s30 =	sand.u32 $0x3FFFFC00, s29;
	v58 =	vld.idx.msk [tilespmem:v0+s27+$0x70 ss:$0x1], $0xffff;
	[tilespmem:v1+s28+$0x20 ss:$0x1] =	vst.idx.msk $0xffff, v55  }
0x66: {  	v59 =	vld.idx.msk [tilespmem:v0+s30+$0x0 ss:$0x1], $0xffff;
	[tilespmem:v1+s28+$0x30 ss:$0x1] =	vst.idx.msk $0xffff, v56  }
0x67: {  	v60 =	vld.idx.msk [tilespmem:v0+s30+$0x10 ss:$0x1], $0xffff;
	[tilespmem:v1+s28+$0x40 ss:$0x1] =	vst.idx.msk $0xffff, v57  }
0x68: {  	[tilespmem:v1+s28+$0x10 ss:$0x1] =	vst.idx.msk $0xffff, v3;
	v3 =	vld.idx.msk [tilespmem:v0+s27+$0x60 ss:$0x1], $0xffff  }
0x69: {  	s20 =	sshll.u32 s20, $0x7;
	[tilespmem:v1+s28+$0x50 ss:$0x1] =	vst.idx.msk $0xffff, v2;
	v2 =	vld.idx.msk [tilespmem:v0+s30+$0x20 ss:$0x1], $0xffff  }
0x6a: {  	s31 =	sand.u32 $0x3FFFFF80, s20;
	v61 =	vld.idx.msk [tilespmem:v0+s30+$0x40 ss:$0x1], $0xffff;
	[tilespmem:v1+s28+$0x70 ss:$0x1] =	vst.idx.msk $0xffff, v58  }
0x6b: {  	v62 =	vld.idx.msk [tilespmem:v0+s30+$0x50 ss:$0x1], $0xffff;
	[tilespmem:v1+s31+$0x0 ss:$0x1] =	vst.idx.msk $0xffff, v59  }
0x6c: {  	v63 =	vld.idx.msk [tilespmem:v0+s30+$0x60 ss:$0x1], $0xffff;
	[tilespmem:v1+s31+$0x10 ss:$0x1] =	vst.idx.msk $0xffff, v60  }
0x6d: {  	[tilespmem:v1+s28+$0x60 ss:$0x1] =	vst.idx.msk $0xffff, v3;
	v3 =	vld.idx.msk [tilespmem:v0+s30+$0x30 ss:$0x1], $0xffff  }
0x6e: {  	p1 =	por p0, p0;
	[tilespmem:v1+s31+$0x20 ss:$0x1] =	vst.idx.msk $0xffff, v2;
	v2 =	vld.idx.msk [tilespmem:v0+s30+$0x70 ss:$0x1], $0xffff  }
.Ltmp4:
0x6f: {  	[tilespmem:v1+s31+$0x40 ss:$0x1] =	vst.idx.msk $0xffff, v61;
	(pc) =	sbr.rel @p1 .LBB1_5-.Ltmp4, $4  }
0x70: {  	[tilespmem:v1+s31+$0x50 ss:$0x1] =	vst.idx.msk $0xffff, v62  }
0x71: {  	[tilespmem:v1+s31+$0x60 ss:$0x1] =	vst.idx.msk $0xffff, v63  }
0x72: {  	[tilespmem:v1+s31+$0x30 ss:$0x1] =	vst.idx.msk $0xffff, v3  }
0x73: {  	p0 =	por $0x0, $0x0;
	s18 =	simm.s32 $0x200;
	[tilespmem:v1+s31+$0x70 ss:$0x1] =	vst.idx.msk $0xffff, v2  }
0x74: {  	s17 =	sadd.s32 $0x1, s17  }
0x75: {  	p0 =	sne.s32 s17, s15  }
.Ltmp5:
0x76: {  	_ = 	snop;
	(pc) =	sbr.rel @p0 .LBB1_4-.Ltmp5, $4  }
.Ltmp6:
0x77: {  	_ = 	snop;
	(pc) =	sbr.rel @!p0 .LBB1_7-.Ltmp6, $4  }
0x78: {  	_ = 	snop  }
0x79: {  	_ = 	snop  }
0x7a: {  	_ = 	snop  }
0x7b: {  	_ = 	snop  }
.LBB1_9:
0x7c: {  	_ =	sfence.sel $0x180000  }
0x7d: {  	s2 =	simm.s32 $0x1;
	[bflag:$0x0] =	sbarrier.arrive $0xFFFF  }
0x7e: {  	s31 =	simm.s32 $0x2;
	[sflag:s2] =	ssyncpa.u1 $0x1  }
0x7f: {  	[sflag:s31] =	ssyncpa.u1 $0x1  }
0x80: {  	p0 =	sne.s32 s1, $0x0;
	_ =	strace $0x9000004A  }
0x81: {  	s0 =	sadd.s32 @!p0 $0x100000, s0;
	[bflag:$0x2] =	sbarrier.arrive $0xFFFF  }
0x82: {  	[sflag:s0] =	ssyncadd.tile.s32 @!p0 $0x1;
	_ =	shalt  }
.Lfunc_end1:
_tile_overlayer_lowered:
.L_overlay_start_2:
0x83: {  	(tag) =	ssettag $0x2  }
0x84: {  	s0 =	rddreg [dreg:$0x0];
	s2 =	stileid.u32  }
0x85: {  	s1 =	rddreg [dreg:$0x1];
	p0 =	sne.s32 s2, $0x0  }
0x86: {  	s3 =	rddreg [dreg:$0x2];
	[bflag:$0x3] =	sbarrier.arrive $0xFFFF;
	s2 =	simm.s32 @!p0 $0x1C01  }
0x87: {  	[timem:s3], [sflag:s2] =	dma.local @!p0 [hbm:s0], s1  }
0x88: {  	s0 =	simm.s32 @!p0 $0x1  }
0x89: {  	_ =	swait.ge @!p0 [sflag:s0], s1  }
0x8a: {  	s1 =	ssub.s32 @!p0 $0x0, s1;
	[sflag:s0] =	ssyncset.done @!p0 $0x0  }
0x8b: {  	[sflag:s0] =	ssyncadd.s32 @!p0 s1  }
0x8c: {  	[bflag:$0x3] =	sbarrier.arrive $0xFFFF  }
0x8d: {  	_ =	shalt  }

// kernel: sparse-core-data-format-call.cloned.1.call-start
scs
called_computation_lowered:
.L_overlay_start_0:
0x0: {  	s2 =	sld [smem:$0x3FD9]  }
0x1: {  	s3 =	sld [smem:$0x3FFE];
	_ =	sdelay $0x1  }
0x2: {  	s1 =	srdreg.scid  }
0x3: {  	s0 =	sand.u32 $0x1, s1  }
0x4: {  	s16 =	sshll.u32 s0, $0xA;
	s2 =	sadd.s32 s3, s2  }
0x5: {  	s2 =	sadd.s32 s2, s16  }
0x6: {  	[smem:$0x3FC1] =	sst s2  }
0x7: {  	_ = 	snop  }
0x8: {  	s2 =	sld [smem:$0x3FD0];
	_ =	sdelay $0x2  }
0x9: {  	s17 =	simm.s32 $0xC;
	s4 =	simm.s32 $0x10  }
0xa: {  	[smem:s4], [sflag:s17] =	dma.local [hbm:s2], $0x1  }
0xb: {  	_ =	swait.eq [sflag:s17], $0x1  }
0xc: {  	[sflag:s17] =	ssyncset.done $0x0  }
0xd: {  	[sflag:s17] =	ssyncadd.s32 $0xFFFFFFFF  }
0xe: {  	s18 =	sld [smem:$0x12];
	(tm) =	ssettm $0x1  }
0xf: {  	s19 =	sld [smem:$0x3FFB];
	_ =	sdelay $0x3  }
0x10: {  	_ =	strace s19  }
0x11: {  	s2 =	sld [smem:$0x3FFC];
	_ =	sdelay $0x3  }
0x12: {  	_ =	strace s2  }
0x13: {  	s2 =	sld [smem:$0x3FFD];
	_ =	sdelay $0x3  }
0x14: {  	_ =	strace s2  }
0x15: {  	_ =	strace $0x8FFFFFFF  }
0x16: {  	s20 =	sld [smem:$0x3FDB];
	_ =	sdelay $0x1  }
0x17: {  	s21 =	simm.s32 $_scs_section_size  }
0x18: {  	s5 =	simm.s32 $_size__tile_overlayer_lowered;
	s6 =	simm.s32 $_tile_overlayer_lowered  }
0x19: {  	s7 =	simm.s32 $0x1BFF;
	s22 =	sshll.u32 s6, $0x1;
	s4 =	sadd.s32 s21, s20  }
0x1a: {  	s23 =	simm.s32 $0x0;
	s5 =	sshll.u32 s5, $0x1;
	s6 =	sadd.s32 s22, s4  }
0x1b: {  	[timem:s23], [sflag:s7] =	dma.local [hbm:s6], s5  }
0x1c: {  	_ =	swait.ge [sflag:s7], s5  }
0x1d: {  	s5 =	ssub.s32 $0x0, s5;
	[sflag:s7] =	ssyncset.done $0x0  }
0x1e: {  	[sflag:s7] =	ssyncadd.s32 s5;
	_ =	sdelay $0x1  }
0x1f: {  	s24 =	simm.s32 $0x1B8B  }
0x20: {  	_ =	swait.ge [sflag:s24], $0x1  }
0x21: {  	[sflag:s24] =	ssyncset.done $0x0  }
0x22: {  	[sflag:s24] =	ssyncadd.s32 $0xFFFFFFFF  }
0x23: {  	s5 =	sld [smem:$0x0]  }
0x24: {  	s6 =	sand.u32 $0xFFFFFFFE, s1  }
0x25: {  	p0 =	sne.s32 s1, s6  }
0x26: {  	s6 =	sshll.u32 @p0 s6, $0xE  }
0x27: {  	s6 =	sadd.s32 @p0 $0x11B8D, s6;
	s7 =	sshll.u32 @p0 s5, $0x11  }
0x28: {  	s6 =	sor.u32 @p0 s7, s6  }
0x29: {  	[sflag:s6] =	ssyncadd.remote.s32 @p0 $0x1;
	_ =	sdelay $0x1  }
0x2a: {  	s6 =	simm.s32 @p0 $0x1B8D  }
0x2b: {  	_ =	swait.eq @p0 [sflag:s6], $0x1  }
0x2c: {  	[sflag:s6] =	ssyncadd.s32 @p0 $0xFFFFFFFF  }
0x2d: {  	s7 =	sshll.u32 @!p0 s1, $0xE  }
0x2e: {  	s7 =	sor.u32 @!p0 $0x4000, s7;
	s6 =	simm.s32 @!p0 $0x1B8D  }
0x2f: {  	s5 =	sshll.u32 @!p0 s5, $0x11;
	s7 =	sadd.s32 @!p0 $0x11B8D, s7;
	_ =	swait.eq @!p0 [sflag:s6], $0x1  }
0x30: {  	s5 =	sor.u32 @!p0 s5, s7;
	[sflag:s6] =	ssyncadd.s32 @!p0 $0xFFFFFFFF  }
0x31: {  	s26 =	simm.s32 $0x1B8E;
	s25 =	sld [smem:$0x3FFE];
	[sflag:s5] =	ssyncadd.remote.s32 @!p0 $0x1  }
0x32: {  	s27 =	simm.s32 $execute0_lowered;
	[smem:$0x3FD2] =	sst s26  }
0x33: {  	s6 =	sshll.u32 s27, $0x1;
	_ =	strace $0x8000004C;
	[dreg:$0x1] =	wrdreg $0xFFFFFFFF  }
0x34: {  	s28 =	simm.s32 $_size_execute0_lowered;
	s4 =	sadd.s32 s4, s6;
	[dreg:$0x0] =	wrdreg $0x0  }
0x35: {  	s6 =	sshll.u32 s28, $0x1;
	[dreg:$0x2] =	wrdreg s4  }
0x36: {  	[dreg:$0x3] =	wrdreg s6  }
0x37: {  	[dreg:$0x4] =	wrdreg $0xC0  }
0x38: {  	_ =	task [dreg:s23], $0x5FFFF  }
0x39: {  	[dreg:$0x1] =	wrdreg $0xFFFFFFFF  }
0x3a: {  	[dreg:$0x0] =	wrdreg $0x60  }
0x3b: {  	[dreg:$0x2] =	wrdreg s25  }
0x3c: {  	[dreg:$0x3] =	wrdreg s18  }
0x3d: {  	[dreg:$0x4] =	wrdreg $0x9  }
0x3e: {  	_ =	task.clear_ibuf [dreg:s23], $0x5FFFF;
	_ =	strace $0x9000004C  }
0x3f: {  	s29 =	simm.s32 $0x9;
	_ =	strace $0x8000004E  }
0x40: {  	_ =	swait.ge [sflag:s29], $0x1  }
0x41: {  	[sflag:s29] =	ssyncadd.s32 $0xFFFFFFFF  }
0x42: {  	_ =	strace $0x9000004E  }
0x43: {  	_ =	sfence  }
0x44: {  	s30 =	sld [smem:$0x0];
	_ =	sdelay $0x2  }
0x45: {  	s31 =	sshll.u32 s1, $0xD;
	s1 =	sshrl.u32 s1, $0x2  }
0x46: {  	s4 =	sand.u32 $0x4000, s31;
	s1 =	sadd.s32 s1, s30  }
0x47: {  	s0 =	sor.u32 s4, s0;
	s1 =	sshll.u32 s1, $0x11  }
0x48: {  	s0 =	sor.u32 s1, s0  }
0x49: {  	s0 =	sadd.s32 $0x8F2B, s0  }
0x4a: {  	[sflag:s0] =	ssyncadd.remote.s32 $0x1  }
0x4b: {  	_ =	sfence.sel $0xFFFF  }
0x4c: {  	[dreg:$0x0] =	wrdreg $0xFFFFFFFF;
	(pc) =	sbr.abs _section_cstart, $3  }
0x4d: {  	[dreg:$0x1] =	wrdreg $0xFFFFFFFF  }
0x4e: {  	_ =	task.clear_ibuf [dreg:s23], $0x2FFFF;
	_ =	strace $0x9FFFFFFF  }
0x4f: {  	(tm) =	ssettm $0x7FFFFFFF  }
tec
execute0_lowered:
.L_overlay_start_1:
0x0: {  	(tag) =	ssettag $0x1  }
0x1: {  	s4 =	rddreg [dreg:$0x0]  }
0x2: {  	s0 =	srdreg.scid;
	s2 =	rddreg [dreg:$0x1]  }
0x3: {  	s1 =	stileid.u32;
	s5 =	simm.s32 $0x1;
	s0 =	sshll.u32 s0, $0x4  }
0x4: {  	s7 =	simm.s32 $0x2;
	s8 =	simm.s32 $0x0;
	s3 =	sand.u32 $0x10, s0  }
.Ltmp0:
0x5: {  	s12 =	simm.s32 $0x0;
	s3 =	sor.u32 s1, s3;
	(pc) =	sbr.rel .LBB1_1-.Ltmp0, $4  }
0x6: {  	s10 =	simm.s32 $0x0;
	s11 =	simm.s32 $0x0;
	s3 =	sshll.u32 s3, $0x4  }
0x7: {  	s0 =	rddreg [dreg:$0x2];
	_ =	strace $0x8000004D;
	s6 =	ssub.s32 $0x2000, s3  }
0x8: {  	s4 =	sadd.s32 $0x123000, s4;
	[sflag:s5] =	ssyncpa.u1 $0x0;
	s6 =	sshrl.u32 s6, $0x9  }
0x9: {  	[sflag:s7] =	ssyncpa.u1 $0x0;
	s9 =	smov.u32 s3;
	s7 =	sadd.s32 $0x2, s6  }
.LBB1_7:
0xa: {  	p0 =	sgt.s32 s10, $0x1FF1;
	s15 =	smov.u32 s10  }
0xb: {  	s15 =	simm.s32 @!p0 $0x1FF1  }
0xc: {  	s13 =	sadd.s32 s13, s15  }
0xd: {  	s13 =	sadd.s32 $0xFFFFE00F, s13  }
0xe: {  	s30 =	sshll.u32 s13, $0xA  }
0xf: {  	s15 =	ssub.s32 $0x4000, s30  }
0x10: {  	s31 =	sshll.u32 s10, $0x7;
	p0 =	sgt.s32 s13, $0xF;
	s13 =	sand.u32 $0x3FFFFC00, s15  }
0x11: {  	s15 =	sadd.s32 s2, s31;
	s13 =	simm.s32 @p0 $0x0  }
0x12: {  	[hbm4b:s15+s8] =	stream.linear.scatter [tilespmem:s14], [sflag:$0x2], s13, $0x38;
	[tilespmem:$0x10000] =	vst v63  }
.LBB1_8:
0x13: {  	p0 =	slt.u32 s11, $0x2  }
0x14: {  	p1 =	sgt.s32 @!p0 s12, $0x1FF1  }
0x15: {  	s13 =	smov.u32 s12;
	s14 =	sshra.s32 @!p0 s12, $0x1F;
	p1 =	por !p1, p0  }
0x16: {  	s12 =	sand.u32 @!p0 s14, s12;
	s13 =	simm.s32 @p1 $0x1FF1  }
0x17: {  	s12 =	ssub.s32 @!p0 s13, s12  }
0x18: {  	s12 =	sadd.s32 @!p0 $0xFFFFE00F, s12  }
0x19: {  	s13 =	sshll.u32 @!p0 s12, $0xA  }
0x1a: {  	p1 =	sgt.s32 @!p0 s12, $0xF;
	s12 =	ssub.s32 @!p0 $0x4000, s13  }
0x1b: {  	s14 =	sadd.s32 $0x200, s9;
	p1 =	por !p1, p0;
	s12 =	sand.u32 @!p0 $0x3FFFFC00, s12  }
0x1c: {  	s12 =	simm.s32 @!p1 $0x0;
	p1 =	sgt.s32 s14, $0x2000  }
0x1d: {  	s14 =	smov.u32 @p1 s3;
	p1 =	sne.s32 s11, s7  }
.Ltmp1:
0x1e: {  	_ = 	snop;
	(pc) =	sbr.rel @!p1 .LBB1_9-.Ltmp1, $4  }
0x1f: {  	s13 =	simm.s32 @!p0 $0x2  }
0x20: {  	_ =	swait.ge @!p0 [sflag:s13], s12;
	s15 =	ssub.s32 @!p0 $0x0, s12  }
0x21: {  	s12 =	smov.u32 s10;
	s11 =	sadd.s32 $0x1, s11;
	[sflag:s13] =	ssyncset.done @!p0 $0x0  }
0x22: {  	s10 =	smov.u32 s9;
	s9 =	smov.u32 s14;
	[sflag:s13] =	ssyncadd.s32 @!p0 s15  }
.LBB1_1:
0x23: {  	p0 =	sgt.u32 s11, s6  }
0x24: {  	s15 =	smov.u32 s9;
	s13 =	sand.u32 @!p0 $0x3FFFF8, s9;
	p1 =	sgt.s32 @!p0 s9, $0x1FF8  }
0x25: {  	s16 =	sshra.s32 @!p0 s9, $0x1F;
	s14 =	smulhi.u32 @!p0 $0xFFC01, s13;
	p1 =	por !p1, p0  }
0x26: {  	s16 =	sand.u32 @!p0 s16, s9;
	s15 =	simm.s32 @p1 $0x1FF8  }
0x27: {  	s14 =	sshrl.u32 @!p0 s14, $0x1;
	s15 =	ssub.s32 @!p0 s15, s16;
	s16 =	sxor.u32 @!p0 $0xFFFFFFFF, s11  }
0x28: {  	s14 =	smul.u32 @!p0 $0x2008, s14;
	s15 =	sadd.s32 @!p0 $0xFFFFE008, s15;
	s16 =	sshll.u32 @!p0 s16, $0xE  }
0x29: {  	p1 =	sgt.s32 @!p0 s15, $0xF;
	s16 =	sand.u32 @!p0 $0x4000, s16  }
0x2a: {  	s13 =	ssub.s32 @!p0 s13, s14;
	s14 =	sshll.u32 @!p0 s15, $0xA;
	s15 =	sshll.u32 @!p0 s9, $0x4  }
0x2b: {  	p1 =	por !p1, p0;
	s14 =	ssub.s32 @!p0 $0x4000, s14;
	s15 =	sand.u32 @!p0 $0x70, s15  }
0x2c: {  	s13 =	sshll.u32 @!p0 s13, $0x7;
	s14 =	sand.u32 @!p0 $0x3FFFFC00, s14;
	s15 =	sadd.s32 @!p0 s4, s15  }
0x2d: {  	s14 =	simm.s32 @!p1 $0x0;
	s13 =	sadd.s32 @!p0 s13, s15;
	s15 =	simm.s32 @!p0 $0x0  }
0x2e: {  	[tilespmem:s16], [sflag:$0x1] =	stream.linear.gather @!p0 [hbm4b:s13+s15], s14, $0x38;
	[tilespmem:$0x10000] =	vst v63  }
0x2f: {  	p0 =	seq.s32 s11, $0x0  }
0x30: {  	p1 =	sge.u32 @!p0 s11, s7  }
0x31: {  	p0 =	por p0, p1  }
.Ltmp2:
0x32: {  	_ = 	snop;
	(pc) =	sbr.rel @p0 .LBB1_8-.Ltmp2, $1  }
0x33: {  	_ =	sdelay $0x3  }
0x34: {  	s13 =	ssub.s32 $0x0, s10  }
0x35: {  	s14 =	sshra.s32 s10, $0x1F;
	p0 =	sgt.s32 s10, $0x1FF8;
	s15 =	smov.u32 s10  }
0x36: {  	s13 =	sand.u32 s13, s14;
	s15 =	simm.s32 @!p0 $0x1FF8  }
0x37: {  	s14 =	sadd.s32 s13, s15  }
0x38: {  	s14 =	sadd.s32 $0xFFFFE008, s14  }
0x39: {  	s30 =	sshll.u32 s14, $0xA  }
0x3a: {  	s15 =	ssub.s32 $0x4000, s30  }
0x3b: {  	p0 =	sgt.s32 s14, $0xF;
	s14 =	sand.u32 $0x3FFFFC00, s15;
	s15 =	sadd.s32 $0x10, s10  }
0x3c: {  	s14 =	simm.s32 @p0 $0x0;
	p0 =	slt.s32 s15, $0x2001  }
0x3d: {  	s15 =	simm.s32 @!p0 $0x2001  }
0x3e: {  	s15 =	ssub.s32 s15, s10  }
0x3f: {  	p0 =	slt.s32 s15, $0x1  }
.Ltmp3:
0x40: {  	_ = 	snop;
	(pc) =	sbr.rel @p0 .LBB1_7-.Ltmp3, $4  }
0x41: {  	_ = 	snop  }
0x42: {  	s31 =	sshll.u32 s11, $0xE;
	_ =	swait.ge [sflag:s5], s14  }
0x43: {  	s16 =	sand.u32 $0x4000, s31;
	s17 =	ssub.s32 $0x0, s14;
	[sflag:s5] =	ssyncset.done $0x0  }
0x44: {  	s14 =	sor.u32 $0x8000, s16;
	[sflag:s5] =	ssyncadd.s32 s17  }
0x45: {  	s17 =	simm.s32 $0x0  }
.LBB1_4:
0x46: {  	s18 =	sshll.u32 s17, $0xA  }
0x47: {  	s20 =	sshll.u32 s17, $0x7;
	s19 =	sand.u32 $0x2000, s18  }
0x48: {  	s20 =	sand.u32 $0x380, s20;
	s19 =	sadd.s32 s19, s16  }
0x49: {  	s19 =	sadd.s32 s20, s19  }
0x4a: {  	v0 =	vmov s19  }
0x4b: {  	s18 =	sadd.s32 s18, s14  }
0x4c: {  	p0 =	por $0x1, $0x1;
	v1 =	vmov s18;
	s18 =	simm.s32 $0x0  }
.LBB1_5:
0x4d: {  	s19 =	sshll.u32 s18, $0x3  }
0x4e: {  	s19 =	sand.u32 $0x3FFFFFF8, s19  }
0x4f: {  	v2 =	vld.idx.msk [tilespmem:v0+s19+$0x0 ss:$0x1], $0xffff  }
0x50: {  	v3 =	vld.idx.msk [tilespmem:v0+s19+$0x10 ss:$0x1], $0xffff  }
0x51: {  	v4 =	vld.idx.msk [tilespmem:v0+s19+$0x20 ss:$0x1], $0xffff  }
0x52: {  	s20 =	sshrl.u32 s18, $0x7;
	v5 =	vld.idx.msk [tilespmem:v0+s19+$0x30 ss:$0x1], $0xffff  }
0x53: {  	s21 =	sor.u32 $0x1, s20;
	v6 =	vld.idx.msk [tilespmem:v0+s19+$0x40 ss:$0x1], $0xffff  }
0x54: {  	s22 =	sshll.u32 s21, $0xA;
	v49 =	vld.idx.msk [tilespmem:v0+s19+$0x70 ss:$0x1], $0xffff;
	[tilespmem:v1+s18+$0x0 ss:$0x1] =	vst.idx.msk $0xffff, v2  }
0x55: {  	s23 =	sand.u32 $0x3FFFFC00, s22;
	v2 =	vld.idx.msk [tilespmem:v0+s19+$0x50 ss:$0x1], $0xffff;
	[tilespmem:v1+s18+$0x10 ss:$0x1] =	vst.idx.msk $0xffff, v3  }
0x56: {  	v50 =	vld.idx.msk [tilespmem:v0+s23+$0x0 ss:$0x1], $0xffff;
	[tilespmem:v1+s18+$0x20 ss:$0x1] =	vst.idx.msk $0xffff, v4  }
0x57: {  	v51 =	vld.idx.msk [tilespmem:v0+s23+$0x10 ss:$0x1], $0xffff;
	[tilespmem:v1+s18+$0x30 ss:$0x1] =	vst.idx.msk $0xffff, v5  }
0x58: {  	v52 =	vld.idx.msk [tilespmem:v0+s23+$0x40 ss:$0x1], $0xffff;
	[tilespmem:v1+s18+$0x40 ss:$0x1] =	vst.idx.msk $0xffff, v6  }
0x59: {  	s21 =	sshll.u32 s21, $0x7;
	v3 =	vld.idx.msk [tilespmem:v0+s19+$0x60 ss:$0x1], $0xffff;
	[tilespmem:v1+s18+$0x70 ss:$0x1] =	vst.idx.msk $0xffff, v49  }
0x5a: {  	s24 =	sand.u32 $0x3FFFFF80, s21;
	[tilespmem:v1+s18+$0x50 ss:$0x1] =	vst.idx.msk $0xffff, v2;
	v2 =	vld.idx.msk [tilespmem:v0+s23+$0x20 ss:$0x1], $0xffff  }
0x5b: {  	v53 =	vld.idx.msk [tilespmem:v0+s23+$0x50 ss:$0x1], $0xffff;
	[tilespmem:v1+s24+$0x0 ss:$0x1] =	vst.idx.msk $0xffff, v50  }
0x5c: {  	s25 =	sor.u32 $0x2, s20;
	v54 =	vld.idx.msk [tilespmem:v0+s23+$0x60 ss:$0x1], $0xffff;
	[tilespmem:v1+s24+$0x10 ss:$0x1] =	vst.idx.msk $0xffff, v51  }
0x5d: {  	s26 =	sshll.u32 s25, $0xA;
	v7 =	vld.idx.msk [tilespmem:v0+s23+$0x70 ss:$0x1], $0xffff;
	[tilespmem:v1+s24+$0x40 ss:$0x1] =	vst.idx.msk $0xffff, v52  }
0x5e: {  	s27 =	sand.u32 $0x3FFFFC00, s26;
	[tilespmem:v1+s18+$0x60 ss:$0x1] =	vst.idx.msk $0xffff, v3;
	v3 =	vld.idx.msk [tilespmem:v0+s23+$0x30 ss:$0x1], $0xffff  }
0x5f: {  	[tilespmem:v1+s24+$0x20 ss:$0x1] =	vst.idx.msk $0xffff, v2;
	v2 =	vld.idx.msk [tilespmem:v0+s27+$0x0 ss:$0x1], $0xffff  }
0x60: {  	v55 =	vld.idx.msk [tilespmem:v0+s27+$0x20 ss:$0x1], $0xffff;
	[tilespmem:v1+s24+$0x50 ss:$0x1] =	vst.idx.msk $0xffff, v53  }
0x61: {  	v56 =	vld.idx.msk [tilespmem:v0+s27+$0x30 ss:$0x1], $0xffff;
	[tilespmem:v1+s24+$0x60 ss:$0x1] =	vst.idx.msk $0xffff, v54  }
0x62: {  	s21 =	sshll.u32 s25, $0x7;
	v57 =	vld.idx.msk [tilespmem:v0+s27+$0x40 ss:$0x1], $0xffff;
	[tilespmem:v1+s24+$0x70 ss:$0x1] =	vst.idx.msk $0xffff, v7  }
0x63: {  	s20 =	sor.u32 $0x3, s20;
	s28 =	sand.u32 $0x3FFFFF80, s21;
	[tilespmem:v1+s24+$0x30 ss:$0x1] =	vst.idx.msk $0xffff, v3;
	v3 =	vld.idx.msk [tilespmem:v0+s27+$0x10 ss:$0x1], $0xffff  }
0x64: {  	s29 =	sshll.u32 s20, $0xA;
	[tilespmem:v1+s28+$0x0 ss:$0x1] =	vst.idx.msk $0xffff, v2;
	v2 =	vld.idx.msk [tilespmem:v0+s27+$0x50 ss:$0x1], $0xffff  }
0x65: {  	s30 =	sand.u32 $0x3FFFFC00, s29;
	v58 =	vld.idx.msk [tilespmem:v0+s27+$0x70 ss:$0x1], $0xffff;
	[tilespmem:v1+s28+$0x20 ss:$0x1] =	vst.idx.msk $0xffff, v55  }
0x66: {  	v59 =	vld.idx.msk [tilespmem:v0+s30+$0x0 ss:$0x1], $0xffff;
	[tilespmem:v1+s28+$0x30 ss:$0x1] =	vst.idx.msk $0xffff, v56  }
0x67: {  	v60 =	vld.idx.msk [tilespmem:v0+s30+$0x10 ss:$0x1], $0xffff;
	[tilespmem:v1+s28+$0x40 ss:$0x1] =	vst.idx.msk $0xffff, v57  }
0x68: {  	[tilespmem:v1+s28+$0x10 ss:$0x1] =	vst.idx.msk $0xffff, v3;
	v3 =	vld.idx.msk [tilespmem:v0+s27+$0x60 ss:$0x1], $0xffff  }
0x69: {  	s20 =	sshll.u32 s20, $0x7;
	[tilespmem:v1+s28+$0x50 ss:$0x1] =	vst.idx.msk $0xffff, v2;
	v2 =	vld.idx.msk [tilespmem:v0+s30+$0x20 ss:$0x1], $0xffff  }
0x6a: {  	s31 =	sand.u32 $0x3FFFFF80, s20;
	v61 =	vld.idx.msk [tilespmem:v0+s30+$0x40 ss:$0x1], $0xffff;
	[tilespmem:v1+s28+$0x70 ss:$0x1] =	vst.idx.msk $0xffff, v58  }
0x6b: {  	v62 =	vld.idx.msk [tilespmem:v0+s30+$0x50 ss:$0x1], $0xffff;
	[tilespmem:v1+s31+$0x0 ss:$0x1] =	vst.idx.msk $0xffff, v59  }
0x6c: {  	v63 =	vld.idx.msk [tilespmem:v0+s30+$0x60 ss:$0x1], $0xffff;
	[tilespmem:v1+s31+$0x10 ss:$0x1] =	vst.idx.msk $0xffff, v60  }
0x6d: {  	[tilespmem:v1+s28+$0x60 ss:$0x1] =	vst.idx.msk $0xffff, v3;
	v3 =	vld.idx.msk [tilespmem:v0+s30+$0x30 ss:$0x1], $0xffff  }
0x6e: {  	p1 =	por p0, p0;
	[tilespmem:v1+s31+$0x20 ss:$0x1] =	vst.idx.msk $0xffff, v2;
	v2 =	vld.idx.msk [tilespmem:v0+s30+$0x70 ss:$0x1], $0xffff  }
.Ltmp4:
0x6f: {  	[tilespmem:v1+s31+$0x40 ss:$0x1] =	vst.idx.msk $0xffff, v61;
	(pc) =	sbr.rel @p1 .LBB1_5-.Ltmp4, $4  }
0x70: {  	[tilespmem:v1+s31+$0x50 ss:$0x1] =	vst.idx.msk $0xffff, v62  }
0x71: {  	[tilespmem:v1+s31+$0x60 ss:$0x1] =	vst.idx.msk $0xffff, v63  }
0x72: {  	[tilespmem:v1+s31+$0x30 ss:$0x1] =	vst.idx.msk $0xffff, v3  }
0x73: {  	p0 =	por $0x0, $0x0;
	s18 =	simm.s32 $0x200;
	[tilespmem:v1+s31+$0x70 ss:$0x1] =	vst.idx.msk $0xffff, v2  }
0x74: {  	s17 =	sadd.s32 $0x1, s17  }
0x75: {  	p0 =	sne.s32 s17, s15  }
.Ltmp5:
0x76: {  	_ = 	snop;
	(pc) =	sbr.rel @p0 .LBB1_4-.Ltmp5, $4  }
.Ltmp6:
0x77: {  	_ = 	snop;
	(pc) =	sbr.rel @!p0 .LBB1_7-.Ltmp6, $4  }
0x78: {  	_ = 	snop  }
0x79: {  	_ = 	snop  }
0x7a: {  	_ = 	snop  }
0x7b: {  	_ = 	snop  }
.LBB1_9:
0x7c: {  	_ =	sfence.sel $0x180000  }
0x7d: {  	s2 =	simm.s32 $0x1;
	[bflag:$0x0] =	sbarrier.arrive $0xFFFF  }
0x7e: {  	s31 =	simm.s32 $0x2;
	[sflag:s2] =	ssyncpa.u1 $0x1  }
0x7f: {  	[sflag:s31] =	ssyncpa.u1 $0x1  }
0x80: {  	p0 =	sne.s32 s1, $0x0;
	_ =	strace $0x9000004D  }
0x81: {  	s0 =	sadd.s32 @!p0 $0x100000, s0;
	[bflag:$0x2] =	sbarrier.arrive $0xFFFF  }
0x82: {  	[sflag:s0] =	ssyncadd.tile.s32 @!p0 $0x1;
	_ =	shalt  }
.Lfunc_end1:
_tile_overlayer_lowered:
.L_overlay_start_2:
0x83: {  	(tag) =	ssettag $0x2  }
0x84: {  	s0 =	rddreg [dreg:$0x0];
	s2 =	stileid.u32  }
0x85: {  	s1 =	rddreg [dreg:$0x1];
	p0 =	sne.s32 s2, $0x0  }
0x86: {  	s3 =	rddreg [dreg:$0x2];
	[bflag:$0x3] =	sbarrier.arrive $0xFFFF;
	s2 =	simm.s32 @!p0 $0x1C01  }
0x87: {  	[timem:s3], [sflag:s2] =	dma.local @!p0 [hbm:s0], s1  }
0x88: {  	s0 =	simm.s32 @!p0 $0x1  }
0x89: {  	_ =	swait.ge @!p0 [sflag:s0], s1  }
0x8a: {  	s1 =	ssub.s32 @!p0 $0x0, s1;
	[sflag:s0] =	ssyncset.done @!p0 $0x0  }
0x8b: {  	[sflag:s0] =	ssyncadd.s32 @!p0 s1  }
0x8c: {  	[bflag:$0x3] =	sbarrier.arrive $0xFFFF  }
0x8d: {  	_ =	shalt  }

</sc_bundles>
